<compile_context>
chip_gen: v7x
topology: tpu7x:2x2x1
jax: 0.10.2.dev20260603
libtpu: 0.0.44.dev20260713+nightly
codegen_flags: <defaults>
</compile_context>

<pallas_src>
import jax
import jax.numpy as jnp
from jax import lax
from jax.experimental import pallas as pl
from jax.experimental.pallas import tpu as pltpu
from jax.experimental.pallas import tpu_sc as plsc

_BATCH = 16384
_NF = 100
_NC = 2
_NS = 16
_NW = _NC * _NS
_BPW = _BATCH // _NW
_L = 16


def _body(xt_hbm, w_hbm, out_hbm, idx_v, vals_v, acc_v, sem):
    wid = lax.axis_index("s") * _NC + lax.axis_index("c")
    base = wid * _BPW

    pltpu.sync_copy(xt_hbm.at[pl.ds(_NF * _BATCH + base, _BPW)], idx_v)
    for i in range(_BPW // _L):
        acc_v[pl.ds(i * _L, _L)] = idx_v[pl.ds(i * _L, _L)].astype(jnp.float32)

    @pl.loop(0, _NF)
    def _field(f):
        pltpu.sync_copy(
            xt_hbm.at[pl.ds(pl.multiple_of(f * _BATCH + base, 8), _BPW)], idx_v
        )
        pltpu.async_copy(w_hbm.at[idx_v], vals_v, sem).wait()
        for i in range(_BPW // _L):
            sl = pl.ds(i * _L, _L)
            acc_v[sl] = acc_v[sl] + vals_v[sl]

    for i in range(_BPW // _L):
        sl = pl.ds(i * _L, _L)
        z = acc_v[sl]
        acc_v[sl] = 1.0 / (1.0 + jnp.exp(-z))
    pltpu.sync_copy(acc_v, out_hbm.at[pl.ds(base, _BPW)])


_OUT_TYPE = jax.ShapeDtypeStruct((_BATCH,), jnp.float32)
_SCRATCH = [
    pltpu.VMEM((_BPW,), jnp.int32),
    pltpu.VMEM((_BPW,), jnp.float32),
    pltpu.VMEM((_BPW,), jnp.float32),
    pltpu.SemaphoreType.DMA,
]
_MESH = plsc.VectorSubcoreMesh(
    core_axis_name="c", subcore_axis_name="s", num_cores=_NC, num_subcores=_NS
)

_sc_fwd = pl.kernel(
    _body, out_type=_OUT_TYPE, mesh=_MESH, scratch_types=_SCRATCH
)


def kernel(x, w):
    xt = jnp.transpose(x.astype(jnp.int32)).reshape(-1)
    return _sc_fwd(xt, w)

# --- scband reference (transcript-rebuilt; emitter-appended) ---
"""Pipeline reference for scband-logistic-regression-model-60284160967182 (READ-ONLY COPY).

The authoritative reference and input builder live on the scoring server;
editing this copy changes nothing except your own understanding.
"""

import jax, jax.numpy as jnp
import numpy as np

BATCH = 16384
N_FIELDS = 100  # index columns; x has one extra trailing offset column
DIM = 1000000


def setup_inputs(seed: int = 0) -> dict:
    key = jax.random.key(seed)
    k_x, k_w = jax.random.split(key)
    x = jax.random.randint(k_x, (BATCH, N_FIELDS + 1), 0, DIM, dtype=jnp.int64)
    w = jax.random.normal(k_w, (DIM,), dtype=jnp.float32) / (DIM ** 0.5)
    return {"x": x, "w": w}


def reference(x, w):
    # Faithful translation of LogisticRegressionModel.forward:
    #   output = masked_fill(w[x[:, :-1].long()], x[:, :-1] < 0, 0).sum(axis=1)
    #   output += x[:, -1]
    #   return sigmoid(output)
    idx = x[:, :-1]
    gathered = jnp.take(w, idx, axis=0)  # SparseCore-friendly gather [B, F]
    gathered = jnp.where(idx < 0, jnp.zeros((), dtype=gathered.dtype), gathered)
    output = gathered.sum(axis=1)
    output = output + x[:, -1].astype(output.dtype)
    return jax.nn.sigmoid(output)

if __name__ == "__main__":
    import jax
    _d = setup_inputs()
    print(jax.jit(kernel)(*tuple(_d.values())))

</pallas_src>

<mosaic_0001>
#map = affine_map<(d0, d1) -> (0)>
module attributes {stable_mosaic.version = 14 : i64} {
  func.func @_body(%arg0: i32, %arg1: i32, %arg2: memref<1654784xi32, #tpu.memory_space<hbm>>, %arg3: memref<1000000xf32, #tpu.memory_space<hbm>>, %arg4: memref<16384xf32, #tpu.memory_space<hbm>>, %arg5: memref<512xi32, #tpu.memory_space<vmem>>, %arg6: memref<512xf32, #tpu.memory_space<vmem>>, %arg7: memref<512xf32, #tpu.memory_space<vmem>>, %arg8: memref<!tpu.dma_semaphore, #tpu.memory_space<semaphore_mem>>) attributes {dimension_semantics = [#tpu.dimension_semantics<core_parallel>, #tpu.dimension_semantics<subcore_parallel>], iteration_bounds = array<i64: 2, 16>, scalar_prefetch = 0 : i64, scratch_operands = 4 : i64, tpu.core_type = #tpu.core_type<sc_vector_subcore>, window_params = [{transform_indices = #map}, {transform_indices = #map}, {transform_indices = #map}]} {
    %mul3A = arith.constant 2 : i32
    %mul3A_0 = arith.muli %arg1, %mul3A : i32
    %add3A = arith.addi %mul3A_0, %arg0 : i32
    %mul3A_1 = arith.constant 512 : i32
    %mul3A_2 = arith.muli %add3A, %mul3A_1 : i32
    %add3A_3 = arith.constant 1638400 : i32
    %add3A_4 = arith.addi %add3A_3, %mul3A_2 : i32
    "tpu.region"() ({
      %run_scoped3A = tpu.sem_alloc : memref<!tpu.dma_semaphore, #tpu.memory_space<semaphore_mem>>
      %dma_start3A = tpu.memref_slice %arg2[%add3A_4] : memref<1654784xi32, #tpu.memory_space<hbm>> -> memref<512xi32, #tpu.memory_space<hbm>>
      %dma_start3A_803 = tpu.memref_slice %arg2[%add3A_4] : memref<1654784xi32, #tpu.memory_space<hbm>> -> memref<512xi32, #tpu.memory_space<hbm>>
      tpu.enqueue_dma source(%dma_start3A_803 : memref<512xi32, #tpu.memory_space<hbm>>) target(%arg5 : memref<512xi32, #tpu.memory_space<vmem>>) target_semaphore(%run_scoped3A : memref<!tpu.dma_semaphore, #tpu.memory_space<semaphore_mem>>)
      %dma_wait3A = tpu.memref_slice %arg2[%add3A_4] : memref<1654784xi32, #tpu.memory_space<hbm>> -> memref<512xi32, #tpu.memory_space<hbm>>
      %dma_wait3A_804 = tpu.memref_slice %arg2[%add3A_4] : memref<1654784xi32, #tpu.memory_space<hbm>> -> memref<512xi32, #tpu.memory_space<hbm>>
      tpu.wait_dma2 semaphore(%run_scoped3A : memref<!tpu.dma_semaphore, #tpu.memory_space<semaphore_mem>>) src(%dma_wait3A_804 : memref<512xi32, #tpu.memory_space<hbm>>) dst(%arg5 : memref<512xi32, #tpu.memory_space<vmem>>)
      tpu.yield
    }) : () -> ()
    %get3A = arith.constant 0 : index
    %get3A_5 = tpu.vector_load %arg5[%get3A] {strides = array<i32>} : memref<512xi32, #tpu.memory_space<vmem>>, vector<16xi32>,
    %get3A_6 = vector.shape_cast %get3A_5 : vector<16xi32> to vector<16xi32>
    %convert_element_type3A = arith.sitofp %get3A_6 : vector<16xi32> to vector<16xf32>
    %swap3A = arith.constant 0 : index
    %swap3A_7 = tpu.vector_load %arg7[%swap3A] {strides = array<i32>} : memref<512xf32, #tpu.memory_space<vmem>>, vector<16xf32>,
    %swap3A_8 = vector.shape_cast %swap3A_7 : vector<16xf32> to vector<16xf32>
    %swap3A_9 = vector.shape_cast %convert_element_type3A : vector<16xf32> to vector<16xf32>
    tpu.vector_store %arg7[%swap3A], %swap3A_9 {strides = array<i32>} : memref<512xf32, #tpu.memory_space<vmem>>, vector<16xf32>,
    %get3A_10 = arith.constant 16 : index
    %get3A_11 = tpu.vector_load %arg5[%get3A_10] {strides = array<i32>} : memref<512xi32, #tpu.memory_space<vmem>>, vector<16xi32>,
    %get3A_12 = vector.shape_cast %get3A_11 : vector<16xi32> to vector<16xi32>
    %convert_element_type3A_13 = arith.sitofp %get3A_12 : vector<16xi32> to vector<16xf32>
    %swap3A_14 = arith.constant 16 : index
    %swap3A_15 = tpu.vector_load %arg7[%swap3A_14] {strides = array<i32>} : memref<512xf32, #tpu.memory_space<vmem>>, vector<16xf32>,
    %swap3A_16 = vector.shape_cast %swap3A_15 : vector<16xf32> to vector<16xf32>
    %swap3A_17 = vector.shape_cast %convert_element_type3A_13 : vector<16xf32> to vector<16xf32>
    tpu.vector_store %arg7[%swap3A_14], %swap3A_17 {strides = array<i32>} : memref<512xf32, #tpu.memory_space<vmem>>, vector<16xf32>,
    %get3A_18 = arith.constant 32 : index
    %get3A_19 = tpu.vector_load %arg5[%get3A_18] {strides = array<i32>} : memref<512xi32, #tpu.memory_space<vmem>>, vector<16xi32>,
    %get3A_20 = vector.shape_cast %get3A_19 : vector<16xi32> to vector<16xi32>
    %convert_element_type3A_21 = arith.sitofp %get3A_20 : vector<16xi32> to vector<16xf32>
    %swap3A_22 = arith.constant 32 : index
    %swap3A_23 = tpu.vector_load %arg7[%swap3A_22] {strides = array<i32>} : memref<512xf32, #tpu.memory_space<vmem>>, vector<16xf32>,
    %swap3A_24 = vector.shape_cast %swap3A_23 : vector<16xf32> to vector<16xf32>
    %swap3A_25 = vector.shape_cast %convert_element_type3A_21 : vector<16xf32> to vector<16xf32>
    tpu.vector_store %arg7[%swap3A_22], %swap3A_25 {strides = array<i32>} : memref<512xf32, #tpu.memory_space<vmem>>, vector<16xf32>,
    %get3A_26 = arith.constant 48 : index
    %get3A_27 = tpu.vector_load %arg5[%get3A_26] {strides = array<i32>} : memref<512xi32, #tpu.memory_space<vmem>>, vector<16xi32>,
    %get3A_28 = vector.shape_cast %get3A_27 : vector<16xi32> to vector<16xi32>
    %convert_element_type3A_29 = arith.sitofp %get3A_28 : vector<16xi32> to vector<16xf32>
    %swap3A_30 = arith.constant 48 : index
    %swap3A_31 = tpu.vector_load %arg7[%swap3A_30] {strides = array<i32>} : memref<512xf32, #tpu.memory_space<vmem>>, vector<16xf32>,
    %swap3A_32 = vector.shape_cast %swap3A_31 : vector<16xf32> to vector<16xf32>
    %swap3A_33 = vector.shape_cast %convert_element_type3A_29 : vector<16xf32> to vector<16xf32>
    tpu.vector_store %arg7[%swap3A_30], %swap3A_33 {strides = array<i32>} : memref<512xf32, #tpu.memory_space<vmem>>, vector<16xf32>,
    %get3A_34 = arith.constant 64 : index
    %get3A_35 = tpu.vector_load %arg5[%get3A_34] {strides = array<i32>} : memref<512xi32, #tpu.memory_space<vmem>>, vector<16xi32>,
    %get3A_36 = vector.shape_cast %get3A_35 : vector<16xi32> to vector<16xi32>
    %convert_element_type3A_37 = arith.sitofp %get3A_36 : vector<16xi32> to vector<16xf32>
    %swap3A_38 = arith.constant 64 : index
    %swap3A_39 = tpu.vector_load %arg7[%swap3A_38] {strides = array<i32>} : memref<512xf32, #tpu.memory_space<vmem>>, vector<16xf32>,
    %swap3A_40 = vector.shape_cast %swap3A_39 : vector<16xf32> to vector<16xf32>
    %swap3A_41 = vector.shape_cast %convert_element_type3A_37 : vector<16xf32> to vector<16xf32>
    tpu.vector_store %arg7[%swap3A_38], %swap3A_41 {strides = array<i32>} : memref<512xf32, #tpu.memory_space<vmem>>, vector<16xf32>,
    %get3A_42 = arith.constant 80 : index
    %get3A_43 = tpu.vector_load %arg5[%get3A_42] {strides = array<i32>} : memref<512xi32, #tpu.memory_space<vmem>>, vector<16xi32>,
    %get3A_44 = vector.shape_cast %get3A_43 : vector<16xi32> to vector<16xi32>
    %convert_element_type3A_45 = arith.sitofp %get3A_44 : vector<16xi32> to vector<16xf32>
    %swap3A_46 = arith.constant 80 : index
    %swap3A_47 = tpu.vector_load %arg7[%swap3A_46] {strides = array<i32>} : memref<512xf32, #tpu.memory_space<vmem>>, vector<16xf32>,
    %swap3A_48 = vector.shape_cast %swap3A_47 : vector<16xf32> to vector<16xf32>
    %swap3A_49 = vector.shape_cast %convert_element_type3A_45 : vector<16xf32> to vector<16xf32>
    tpu.vector_store %arg7[%swap3A_46], %swap3A_49 {strides = array<i32>} : memref<512xf32, #tpu.memory_space<vmem>>, vector<16xf32>,
    %get3A_50 = arith.constant 96 : index
    %get3A_51 = tpu.vector_load %arg5[%get3A_50] {strides = array<i32>} : memref<512xi32, #tpu.memory_space<vmem>>, vector<16xi32>,
    %get3A_52 = vector.shape_cast %get3A_51 : vector<16xi32> to vector<16xi32>
    %convert_element_type3A_53 = arith.sitofp %get3A_52 : vector<16xi32> to vector<16xf32>
    %swap3A_54 = arith.constant 96 : index
    %swap3A_55 = tpu.vector_load %arg7[%swap3A_54] {strides = array<i32>} : memref<512xf32, #tpu.memory_space<vmem>>, vector<16xf32>,
    %swap3A_56 = vector.shape_cast %swap3A_55 : vector<16xf32> to vector<16xf32>
    %swap3A_57 = vector.shape_cast %convert_element_type3A_53 : vector<16xf32> to vector<16xf32>
    tpu.vector_store %arg7[%swap3A_54], %swap3A_57 {strides = array<i32>} : memref<512xf32, #tpu.memory_space<vmem>>, vector<16xf32>,
    %get3A_58 = arith.constant 112 : index
    %get3A_59 = tpu.vector_load %arg5[%get3A_58] {strides = array<i32>} : memref<512xi32, #tpu.memory_space<vmem>>, vector<16xi32>,
    %get3A_60 = vector.shape_cast %get3A_59 : vector<16xi32> to vector<16xi32>
    %convert_element_type3A_61 = arith.sitofp %get3A_60 : vector<16xi32> to vector<16xf32>
    %swap3A_62 = arith.constant 112 : index
    %swap3A_63 = tpu.vector_load %arg7[%swap3A_62] {strides = array<i32>} : memref<512xf32, #tpu.memory_space<vmem>>, vector<16xf32>,
    %swap3A_64 = vector.shape_cast %swap3A_63 : vector<16xf32> to vector<16xf32>
    %swap3A_65 = vector.shape_cast %convert_element_type3A_61 : vector<16xf32> to vector<16xf32>
    tpu.vector_store %arg7[%swap3A_62], %swap3A_65 {strides = array<i32>} : memref<512xf32, #tpu.memory_space<vmem>>, vector<16xf32>,
    %get3A_66 = arith.constant 128 : index
    %get3A_67 = tpu.vector_load %arg5[%get3A_66] {strides = array<i32>} : memref<512xi32, #tpu.memory_space<vmem>>, vector<16xi32>,
    %get3A_68 = vector.shape_cast %get3A_67 : vector<16xi32> to vector<16xi32>
    %convert_element_type3A_69 = arith.sitofp %get3A_68 : vector<16xi32> to vector<16xf32>
    %swap3A_70 = arith.constant 128 : index
    %swap3A_71 = tpu.vector_load %arg7[%swap3A_70] {strides = array<i32>} : memref<512xf32, #tpu.memory_space<vmem>>, vector<16xf32>,
    %swap3A_72 = vector.shape_cast %swap3A_71 : vector<16xf32> to vector<16xf32>
    %swap3A_73 = vector.shape_cast %convert_element_type3A_69 : vector<16xf32> to vector<16xf32>
    tpu.vector_store %arg7[%swap3A_70], %swap3A_73 {strides = array<i32>} : memref<512xf32, #tpu.memory_space<vmem>>, vector<16xf32>,
    %get3A_74 = arith.constant 144 : index
    %get3A_75 = tpu.vector_load %arg5[%get3A_74] {strides = array<i32>} : memref<512xi32, #tpu.memory_space<vmem>>, vector<16xi32>,
    %get3A_76 = vector.shape_cast %get3A_75 : vector<16xi32> to vector<16xi32>
    %convert_element_type3A_77 = arith.sitofp %get3A_76 : vector<16xi32> to vector<16xf32>
    %swap3A_78 = arith.constant 144 : index
    %swap3A_79 = tpu.vector_load %arg7[%swap3A_78] {strides = array<i32>} : memref<512xf32, #tpu.memory_space<vmem>>, vector<16xf32>,
    %swap3A_80 = vector.shape_cast %swap3A_79 : vector<16xf32> to vector<16xf32>
    %swap3A_81 = vector.shape_cast %convert_element_type3A_77 : vector<16xf32> to vector<16xf32>
    tpu.vector_store %arg7[%swap3A_78], %swap3A_81 {strides = array<i32>} : memref<512xf32, #tpu.memory_space<vmem>>, vector<16xf32>,
    %get3A_82 = arith.constant 160 : index
    %get3A_83 = tpu.vector_load %arg5[%get3A_82] {strides = array<i32>} : memref<512xi32, #tpu.memory_space<vmem>>, vector<16xi32>,
    %get3A_84 = vector.shape_cast %get3A_83 : vector<16xi32> to vector<16xi32>
    %convert_element_type3A_85 = arith.sitofp %get3A_84 : vector<16xi32> to vector<16xf32>
    %swap3A_86 = arith.constant 160 : index
    %swap3A_87 = tpu.vector_load %arg7[%swap3A_86] {strides = array<i32>} : memref<512xf32, #tpu.memory_space<vmem>>, vector<16xf32>,
    %swap3A_88 = vector.shape_cast %swap3A_87 : vector<16xf32> to vector<16xf32>
    %swap3A_89 = vector.shape_cast %convert_element_type3A_85 : vector<16xf32> to vector<16xf32>
    tpu.vector_store %arg7[%swap3A_86], %swap3A_89 {strides = array<i32>} : memref<512xf32, #tpu.memory_space<vmem>>, vector<16xf32>,
    %get3A_90 = arith.constant 176 : index
    %get3A_91 = tpu.vector_load %arg5[%get3A_90] {strides = array<i32>} : memref<512xi32, #tpu.memory_space<vmem>>, vector<16xi32>,
    %get3A_92 = vector.shape_cast %get3A_91 : vector<16xi32> to vector<16xi32>
    %convert_element_type3A_93 = arith.sitofp %get3A_92 : vector<16xi32> to vector<16xf32>
    %swap3A_94 = arith.constant 176 : index
    %swap3A_95 = tpu.vector_load %arg7[%swap3A_94] {strides = array<i32>} : memref<512xf32, #tpu.memory_space<vmem>>, vector<16xf32>,
    %swap3A_96 = vector.shape_cast %swap3A_95 : vector<16xf32> to vector<16xf32>
    %swap3A_97 = vector.shape_cast %convert_element_type3A_93 : vector<16xf32> to vector<16xf32>
    tpu.vector_store %arg7[%swap3A_94], %swap3A_97 {strides = array<i32>} : memref<512xf32, #tpu.memory_space<vmem>>, vector<16xf32>,
    %get3A_98 = arith.constant 192 : index
    %get3A_99 = tpu.vector_load %arg5[%get3A_98] {strides = array<i32>} : memref<512xi32, #tpu.memory_space<vmem>>, vector<16xi32>,
    %get3A_100 = vector.shape_cast %get3A_99 : vector<16xi32> to vector<16xi32>
    %convert_element_type3A_101 = arith.sitofp %get3A_100 : vector<16xi32> to vector<16xf32>
    %swap3A_102 = arith.constant 192 : index
    %swap3A_103 = tpu.vector_load %arg7[%swap3A_102] {strides = array<i32>} : memref<512xf32, #tpu.memory_space<vmem>>, vector<16xf32>,
    %swap3A_104 = vector.shape_cast %swap3A_103 : vector<16xf32> to vector<16xf32>
    %swap3A_105 = vector.shape_cast %convert_element_type3A_101 : vector<16xf32> to vector<16xf32>
    tpu.vector_store %arg7[%swap3A_102], %swap3A_105 {strides = array<i32>} : memref<512xf32, #tpu.memory_space<vmem>>, vector<16xf32>,
    %get3A_106 = arith.constant 208 : index
    %get3A_107 = tpu.vector_load %arg5[%get3A_106] {strides = array<i32>} : memref<512xi32, #tpu.memory_space<vmem>>, vector<16xi32>,
    %get3A_108 = vector.shape_cast %get3A_107 : vector<16xi32> to vector<16xi32>
    %convert_element_type3A_109 = arith.sitofp %get3A_108 : vector<16xi32> to vector<16xf32>
    %swap3A_110 = arith.constant 208 : index
    %swap3A_111 = tpu.vector_load %arg7[%swap3A_110] {strides = array<i32>} : memref<512xf32, #tpu.memory_space<vmem>>, vector<16xf32>,
    %swap3A_112 = vector.shape_cast %swap3A_111 : vector<16xf32> to vector<16xf32>
    %swap3A_113 = vector.shape_cast %convert_element_type3A_109 : vector<16xf32> to vector<16xf32>
    tpu.vector_store %arg7[%swap3A_110], %swap3A_113 {strides = array<i32>} : memref<512xf32, #tpu.memory_space<vmem>>, vector<16xf32>,
    %get3A_114 = arith.constant 224 : index
    %get3A_115 = tpu.vector_load %arg5[%get3A_114] {strides = array<i32>} : memref<512xi32, #tpu.memory_space<vmem>>, vector<16xi32>,
    %get3A_116 = vector.shape_cast %get3A_115 : vector<16xi32> to vector<16xi32>
    %convert_element_type3A_117 = arith.sitofp %get3A_116 : vector<16xi32> to vector<16xf32>
    %swap3A_118 = arith.constant 224 : index
    %swap3A_119 = tpu.vector_load %arg7[%swap3A_118] {strides = array<i32>} : memref<512xf32, #tpu.memory_space<vmem>>, vector<16xf32>,
    %swap3A_120 = vector.shape_cast %swap3A_119 : vector<16xf32> to vector<16xf32>
    %swap3A_121 = vector.shape_cast %convert_element_type3A_117 : vector<16xf32> to vector<16xf32>
    tpu.vector_store %arg7[%swap3A_118], %swap3A_121 {strides = array<i32>} : memref<512xf32, #tpu.memory_space<vmem>>, vector<16xf32>,
    %get3A_122 = arith.constant 240 : index
    %get3A_123 = tpu.vector_load %arg5[%get3A_122] {strides = array<i32>} : memref<512xi32, #tpu.memory_space<vmem>>, vector<16xi32>,
    %get3A_124 = vector.shape_cast %get3A_123 : vector<16xi32> to vector<16xi32>
    %convert_element_type3A_125 = arith.sitofp %get3A_124 : vector<16xi32> to vector<16xf32>
    %swap3A_126 = arith.constant 240 : index
    %swap3A_127 = tpu.vector_load %arg7[%swap3A_126] {strides = array<i32>} : memref<512xf32, #tpu.memory_space<vmem>>, vector<16xf32>,
    %swap3A_128 = vector.shape_cast %swap3A_127 : vector<16xf32> to vector<16xf32>
    %swap3A_129 = vector.shape_cast %convert_element_type3A_125 : vector<16xf32> to vector<16xf32>
    tpu.vector_store %arg7[%swap3A_126], %swap3A_129 {strides = array<i32>} : memref<512xf32, #tpu.memory_space<vmem>>, vector<16xf32>,
    %get3A_130 = arith.constant 256 : index
    %get3A_131 = tpu.vector_load %arg5[%get3A_130] {strides = array<i32>} : memref<512xi32, #tpu.memory_space<vmem>>, vector<16xi32>,
    %get3A_132 = vector.shape_cast %get3A_131 : vector<16xi32> to vector<16xi32>
    %convert_element_type3A_133 = arith.sitofp %get3A_132 : vector<16xi32> to vector<16xf32>
    %swap3A_134 = arith.constant 256 : index
    %swap3A_135 = tpu.vector_load %arg7[%swap3A_134] {strides = array<i32>} : memref<512xf32, #tpu.memory_space<vmem>>, vector<16xf32>,
    %swap3A_136 = vector.shape_cast %swap3A_135 : vector<16xf32> to vector<16xf32>
    %swap3A_137 = vector.shape_cast %convert_element_type3A_133 : vector<16xf32> to vector<16xf32>
    tpu.vector_store %arg7[%swap3A_134], %swap3A_137 {strides = array<i32>} : memref<512xf32, #tpu.memory_space<vmem>>, vector<16xf32>,
    %get3A_138 = arith.constant 272 : index
    %get3A_139 = tpu.vector_load %arg5[%get3A_138] {strides = array<i32>} : memref<512xi32, #tpu.memory_space<vmem>>, vector<16xi32>,
    %get3A_140 = vector.shape_cast %get3A_139 : vector<16xi32> to vector<16xi32>
    %convert_element_type3A_141 = arith.sitofp %get3A_140 : vector<16xi32> to vector<16xf32>
    %swap3A_142 = arith.constant 272 : index
    %swap3A_143 = tpu.vector_load %arg7[%swap3A_142] {strides = array<i32>} : memref<512xf32, #tpu.memory_space<vmem>>, vector<16xf32>,
    %swap3A_144 = vector.shape_cast %swap3A_143 : vector<16xf32> to vector<16xf32>
    %swap3A_145 = vector.shape_cast %convert_element_type3A_141 : vector<16xf32> to vector<16xf32>
    tpu.vector_store %arg7[%swap3A_142], %swap3A_145 {strides = array<i32>} : memref<512xf32, #tpu.memory_space<vmem>>, vector<16xf32>,
    %get3A_146 = arith.constant 288 : index
    %get3A_147 = tpu.vector_load %arg5[%get3A_146] {strides = array<i32>} : memref<512xi32, #tpu.memory_space<vmem>>, vector<16xi32>,
    %get3A_148 = vector.shape_cast %get3A_147 : vector<16xi32> to vector<16xi32>
    %convert_element_type3A_149 = arith.sitofp %get3A_148 : vector<16xi32> to vector<16xf32>
    %swap3A_150 = arith.constant 288 : index
    %swap3A_151 = tpu.vector_load %arg7[%swap3A_150] {strides = array<i32>} : memref<512xf32, #tpu.memory_space<vmem>>, vector<16xf32>,
    %swap3A_152 = vector.shape_cast %swap3A_151 : vector<16xf32> to vector<16xf32>
    %swap3A_153 = vector.shape_cast %convert_element_type3A_149 : vector<16xf32> to vector<16xf32>
    tpu.vector_store %arg7[%swap3A_150], %swap3A_153 {strides = array<i32>} : memref<512xf32, #tpu.memory_space<vmem>>, vector<16xf32>,
    %get3A_154 = arith.constant 304 : index
    %get3A_155 = tpu.vector_load %arg5[%get3A_154] {strides = array<i32>} : memref<512xi32, #tpu.memory_space<vmem>>, vector<16xi32>,
    %get3A_156 = vector.shape_cast %get3A_155 : vector<16xi32> to vector<16xi32>
    %convert_element_type3A_157 = arith.sitofp %get3A_156 : vector<16xi32> to vector<16xf32>
    %swap3A_158 = arith.constant 304 : index
    %swap3A_159 = tpu.vector_load %arg7[%swap3A_158] {strides = array<i32>} : memref<512xf32, #tpu.memory_space<vmem>>, vector<16xf32>,
    %swap3A_160 = vector.shape_cast %swap3A_159 : vector<16xf32> to vector<16xf32>
    %swap3A_161 = vector.shape_cast %convert_element_type3A_157 : vector<16xf32> to vector<16xf32>
    tpu.vector_store %arg7[%swap3A_158], %swap3A_161 {strides = array<i32>} : memref<512xf32, #tpu.memory_space<vmem>>, vector<16xf32>,
    %get3A_162 = arith.constant 320 : index
    %get3A_163 = tpu.vector_load %arg5[%get3A_162] {strides = array<i32>} : memref<512xi32, #tpu.memory_space<vmem>>, vector<16xi32>,
    %get3A_164 = vector.shape_cast %get3A_163 : vector<16xi32> to vector<16xi32>
    %convert_element_type3A_165 = arith.sitofp %get3A_164 : vector<16xi32> to vector<16xf32>
    %swap3A_166 = arith.constant 320 : index
    %swap3A_167 = tpu.vector_load %arg7[%swap3A_166] {strides = array<i32>} : memref<512xf32, #tpu.memory_space<vmem>>, vector<16xf32>,
    %swap3A_168 = vector.shape_cast %swap3A_167 : vector<16xf32> to vector<16xf32>
    %swap3A_169 = vector.shape_cast %convert_element_type3A_165 : vector<16xf32> to vector<16xf32>
    tpu.vector_store %arg7[%swap3A_166], %swap3A_169 {strides = array<i32>} : memref<512xf32, #tpu.memory_space<vmem>>, vector<16xf32>,
    %get3A_170 = arith.constant 336 : index
    %get3A_171 = tpu.vector_load %arg5[%get3A_170] {strides = array<i32>} : memref<512xi32, #tpu.memory_space<vmem>>, vector<16xi32>,
    %get3A_172 = vector.shape_cast %get3A_171 : vector<16xi32> to vector<16xi32>
    %convert_element_type3A_173 = arith.sitofp %get3A_172 : vector<16xi32> to vector<16xf32>
    %swap3A_174 = arith.constant 336 : index
    %swap3A_175 = tpu.vector_load %arg7[%swap3A_174] {strides = array<i32>} : memref<512xf32, #tpu.memory_space<vmem>>, vector<16xf32>,
    %swap3A_176 = vector.shape_cast %swap3A_175 : vector<16xf32> to vector<16xf32>
    %swap3A_177 = vector.shape_cast %convert_element_type3A_173 : vector<16xf32> to vector<16xf32>
    tpu.vector_store %arg7[%swap3A_174], %swap3A_177 {strides = array<i32>} : memref<512xf32, #tpu.memory_space<vmem>>, vector<16xf32>,
    %get3A_178 = arith.constant 352 : index
    %get3A_179 = tpu.vector_load %arg5[%get3A_178] {strides = array<i32>} : memref<512xi32, #tpu.memory_space<vmem>>, vector<16xi32>,
    %get3A_180 = vector.shape_cast %get3A_179 : vector<16xi32> to vector<16xi32>
    %convert_element_type3A_181 = arith.sitofp %get3A_180 : vector<16xi32> to vector<16xf32>
    %swap3A_182 = arith.constant 352 : index
    %swap3A_183 = tpu.vector_load %arg7[%swap3A_182] {strides = array<i32>} : memref<512xf32, #tpu.memory_space<vmem>>, vector<16xf32>,
    %swap3A_184 = vector.shape_cast %swap3A_183 : vector<16xf32> to vector<16xf32>
    %swap3A_185 = vector.shape_cast %convert_element_type3A_181 : vector<16xf32> to vector<16xf32>
    tpu.vector_store %arg7[%swap3A_182], %swap3A_185 {strides = array<i32>} : memref<512xf32, #tpu.memory_space<vmem>>, vector<16xf32>,
    %get3A_186 = arith.constant 368 : index
    %get3A_187 = tpu.vector_load %arg5[%get3A_186] {strides = array<i32>} : memref<512xi32, #tpu.memory_space<vmem>>, vector<16xi32>,
    %get3A_188 = vector.shape_cast %get3A_187 : vector<16xi32> to vector<16xi32>
    %convert_element_type3A_189 = arith.sitofp %get3A_188 : vector<16xi32> to vector<16xf32>
    %swap3A_190 = arith.constant 368 : index
    %swap3A_191 = tpu.vector_load %arg7[%swap3A_190] {strides = array<i32>} : memref<512xf32, #tpu.memory_space<vmem>>, vector<16xf32>,
    %swap3A_192 = vector.shape_cast %swap3A_191 : vector<16xf32> to vector<16xf32>
    %swap3A_193 = vector.shape_cast %convert_element_type3A_189 : vector<16xf32> to vector<16xf32>
    tpu.vector_store %arg7[%swap3A_190], %swap3A_193 {strides = array<i32>} : memref<512xf32, #tpu.memory_space<vmem>>, vector<16xf32>,
    %get3A_194 = arith.constant 384 : index
    %get3A_195 = tpu.vector_load %arg5[%get3A_194] {strides = array<i32>} : memref<512xi32, #tpu.memory_space<vmem>>, vector<16xi32>,
    %get3A_196 = vector.shape_cast %get3A_195 : vector<16xi32> to vector<16xi32>
    %convert_element_type3A_197 = arith.sitofp %get3A_196 : vector<16xi32> to vector<16xf32>
    %swap3A_198 = arith.constant 384 : index
    %swap3A_199 = tpu.vector_load %arg7[%swap3A_198] {strides = array<i32>} : memref<512xf32, #tpu.memory_space<vmem>>, vector<16xf32>,
    %swap3A_200 = vector.shape_cast %swap3A_199 : vector<16xf32> to vector<16xf32>
    %swap3A_201 = vector.shape_cast %convert_element_type3A_197 : vector<16xf32> to vector<16xf32>
    tpu.vector_store %arg7[%swap3A_198], %swap3A_201 {strides = array<i32>} : memref<512xf32, #tpu.memory_space<vmem>>, vector<16xf32>,
    %get3A_202 = arith.constant 400 : index
    %get3A_203 = tpu.vector_load %arg5[%get3A_202] {strides = array<i32>} : memref<512xi32, #tpu.memory_space<vmem>>, vector<16xi32>,
    %get3A_204 = vector.shape_cast %get3A_203 : vector<16xi32> to vector<16xi32>
    %convert_element_type3A_205 = arith.sitofp %get3A_204 : vector<16xi32> to vector<16xf32>
    %swap3A_206 = arith.constant 400 : index
    %swap3A_207 = tpu.vector_load %arg7[%swap3A_206] {strides = array<i32>} : memref<512xf32, #tpu.memory_space<vmem>>, vector<16xf32>,
    %swap3A_208 = vector.shape_cast %swap3A_207 : vector<16xf32> to vector<16xf32>
    %swap3A_209 = vector.shape_cast %convert_element_type3A_205 : vector<16xf32> to vector<16xf32>
    tpu.vector_store %arg7[%swap3A_206], %swap3A_209 {strides = array<i32>} : memref<512xf32, #tpu.memory_space<vmem>>, vector<16xf32>,
    %get3A_210 = arith.constant 416 : index
    %get3A_211 = tpu.vector_load %arg5[%get3A_210] {strides = array<i32>} : memref<512xi32, #tpu.memory_space<vmem>>, vector<16xi32>,
    %get3A_212 = vector.shape_cast %get3A_211 : vector<16xi32> to vector<16xi32>
    %convert_element_type3A_213 = arith.sitofp %get3A_212 : vector<16xi32> to vector<16xf32>
    %swap3A_214 = arith.constant 416 : index
    %swap3A_215 = tpu.vector_load %arg7[%swap3A_214] {strides = array<i32>} : memref<512xf32, #tpu.memory_space<vmem>>, vector<16xf32>,
    %swap3A_216 = vector.shape_cast %swap3A_215 : vector<16xf32> to vector<16xf32>
    %swap3A_217 = vector.shape_cast %convert_element_type3A_213 : vector<16xf32> to vector<16xf32>
    tpu.vector_store %arg7[%swap3A_214], %swap3A_217 {strides = array<i32>} : memref<512xf32, #tpu.memory_space<vmem>>, vector<16xf32>,
    %get3A_218 = arith.constant 432 : index
    %get3A_219 = tpu.vector_load %arg5[%get3A_218] {strides = array<i32>} : memref<512xi32, #tpu.memory_space<vmem>>, vector<16xi32>,
    %get3A_220 = vector.shape_cast %get3A_219 : vector<16xi32> to vector<16xi32>
    %convert_element_type3A_221 = arith.sitofp %get3A_220 : vector<16xi32> to vector<16xf32>
    %swap3A_222 = arith.constant 432 : index
    %swap3A_223 = tpu.vector_load %arg7[%swap3A_222] {strides = array<i32>} : memref<512xf32, #tpu.memory_space<vmem>>, vector<16xf32>,
    %swap3A_224 = vector.shape_cast %swap3A_223 : vector<16xf32> to vector<16xf32>
    %swap3A_225 = vector.shape_cast %convert_element_type3A_221 : vector<16xf32> to vector<16xf32>
    tpu.vector_store %arg7[%swap3A_222], %swap3A_225 {strides = array<i32>} : memref<512xf32, #tpu.memory_space<vmem>>, vector<16xf32>,
    %get3A_226 = arith.constant 448 : index
    %get3A_227 = tpu.vector_load %arg5[%get3A_226] {strides = array<i32>} : memref<512xi32, #tpu.memory_space<vmem>>, vector<16xi32>,
    %get3A_228 = vector.shape_cast %get3A_227 : vector<16xi32> to vector<16xi32>
    %convert_element_type3A_229 = arith.sitofp %get3A_228 : vector<16xi32> to vector<16xf32>
    %swap3A_230 = arith.constant 448 : index
    %swap3A_231 = tpu.vector_load %arg7[%swap3A_230] {strides = array<i32>} : memref<512xf32, #tpu.memory_space<vmem>>, vector<16xf32>,
    %swap3A_232 = vector.shape_cast %swap3A_231 : vector<16xf32> to vector<16xf32>
    %swap3A_233 = vector.shape_cast %convert_element_type3A_229 : vector<16xf32> to vector<16xf32>
    tpu.vector_store %arg7[%swap3A_230], %swap3A_233 {strides = array<i32>} : memref<512xf32, #tpu.memory_space<vmem>>, vector<16xf32>,
    %get3A_234 = arith.constant 464 : index
    %get3A_235 = tpu.vector_load %arg5[%get3A_234] {strides = array<i32>} : memref<512xi32, #tpu.memory_space<vmem>>, vector<16xi32>,
    %get3A_236 = vector.shape_cast %get3A_235 : vector<16xi32> to vector<16xi32>
    %convert_element_type3A_237 = arith.sitofp %get3A_236 : vector<16xi32> to vector<16xf32>
    %swap3A_238 = arith.constant 464 : index
    %swap3A_239 = tpu.vector_load %arg7[%swap3A_238] {strides = array<i32>} : memref<512xf32, #tpu.memory_space<vmem>>, vector<16xf32>,
    %swap3A_240 = vector.shape_cast %swap3A_239 : vector<16xf32> to vector<16xf32>
    %swap3A_241 = vector.shape_cast %convert_element_type3A_237 : vector<16xf32> to vector<16xf32>
    tpu.vector_store %arg7[%swap3A_238], %swap3A_241 {strides = array<i32>} : memref<512xf32, #tpu.memory_space<vmem>>, vector<16xf32>,
    %get3A_242 = arith.constant 480 : index
    %get3A_243 = tpu.vector_load %arg5[%get3A_242] {strides = array<i32>} : memref<512xi32, #tpu.memory_space<vmem>>, vector<16xi32>,
    %get3A_244 = vector.shape_cast %get3A_243 : vector<16xi32> to vector<16xi32>
    %convert_element_type3A_245 = arith.sitofp %get3A_244 : vector<16xi32> to vector<16xf32>
    %swap3A_246 = arith.constant 480 : index
    %swap3A_247 = tpu.vector_load %arg7[%swap3A_246] {strides = array<i32>} : memref<512xf32, #tpu.memory_space<vmem>>, vector<16xf32>,
    %swap3A_248 = vector.shape_cast %swap3A_247 : vector<16xf32> to vector<16xf32>
    %swap3A_249 = vector.shape_cast %convert_element_type3A_245 : vector<16xf32> to vector<16xf32>
    tpu.vector_store %arg7[%swap3A_246], %swap3A_249 {strides = array<i32>} : memref<512xf32, #tpu.memory_space<vmem>>, vector<16xf32>,
    %get3A_250 = arith.constant 496 : index
    %get3A_251 = tpu.vector_load %arg5[%get3A_250] {strides = array<i32>} : memref<512xi32, #tpu.memory_space<vmem>>, vector<16xi32>,
    %get3A_252 = vector.shape_cast %get3A_251 : vector<16xi32> to vector<16xi32>
    %convert_element_type3A_253 = arith.sitofp %get3A_252 : vector<16xi32> to vector<16xf32>
    %swap3A_254 = arith.constant 496 : index
    %swap3A_255 = tpu.vector_load %arg7[%swap3A_254] {strides = array<i32>} : memref<512xf32, #tpu.memory_space<vmem>>, vector<16xf32>,
    %swap3A_256 = vector.shape_cast %swap3A_255 : vector<16xf32> to vector<16xf32>
    %swap3A_257 = vector.shape_cast %convert_element_type3A_253 : vector<16xf32> to vector<16xf32>
    tpu.vector_store %arg7[%swap3A_254], %swap3A_257 {strides = array<i32>} : memref<512xf32, #tpu.memory_space<vmem>>, vector<16xf32>,
    %scan3A = arith.constant 0 : i32
    %scan3A_258 = arith.constant 100 : i32
    %scan3A_259 = arith.addi %scan3A, %scan3A_258 : i32
    %scan3A_260 = arith.constant 1 : i32
    scf.for %scan3A_803 = %scan3A to %scan3A_259 step %scan3A_260  : i32 {
      %mul3A_804 = arith.constant 1 : i32
      %mul3A_805 = arith.muli %scan3A_803, %mul3A_804 : i32
      %add3A_806 = arith.constant 0 : i32
      %add3A_807 = arith.addi %add3A_806, %mul3A_805 : i32
      %mul3A_808 = arith.constant 16384 : i32
      %mul3A_809 = arith.muli %add3A_807, %mul3A_808 : i32
      %add3A_810 = arith.addi %mul3A_809, %mul3A_2 : i32
      %multiple_of3A = tpu.assume_multiple %add3A_810, 8 : i32
      "tpu.region"() ({
        %run_scoped3A = tpu.sem_alloc : memref<!tpu.dma_semaphore, #tpu.memory_space<semaphore_mem>>
        %dma_start3A_1165 = tpu.memref_slice %arg2[%multiple_of3A] : memref<1654784xi32, #tpu.memory_space<hbm>> -> memref<512xi32, #tpu.memory_space<hbm>>
        %dma_start3A_1166 = tpu.memref_slice %arg2[%multiple_of3A] : memref<1654784xi32, #tpu.memory_space<hbm>> -> memref<512xi32, #tpu.memory_space<hbm>>
        tpu.enqueue_dma source(%dma_start3A_1166 : memref<512xi32, #tpu.memory_space<hbm>>) target(%arg5 : memref<512xi32, #tpu.memory_space<vmem>>) target_semaphore(%run_scoped3A : memref<!tpu.dma_semaphore, #tpu.memory_space<semaphore_mem>>)
        %dma_wait3A_1167 = tpu.memref_slice %arg2[%multiple_of3A] : memref<1654784xi32, #tpu.memory_space<hbm>> -> memref<512xi32, #tpu.memory_space<hbm>>
        %dma_wait3A_1168 = tpu.memref_slice %arg2[%multiple_of3A] : memref<1654784xi32, #tpu.memory_space<hbm>> -> memref<512xi32, #tpu.memory_space<hbm>>
        tpu.wait_dma2 semaphore(%run_scoped3A : memref<!tpu.dma_semaphore, #tpu.memory_space<semaphore_mem>>) src(%dma_wait3A_1168 : memref<512xi32, #tpu.memory_space<hbm>>) dst(%arg5 : memref<512xi32, #tpu.memory_space<vmem>>)
        tpu.yield
      }) : () -> ()
      %dma_start3A = arith.constant 0 : i32
      %dma_start3A_811 = tpu.memref_slice %arg3[%dma_start3A] : memref<1000000xf32, #tpu.memory_space<hbm>> -> memref<1000000xf32, #tpu.memory_space<hbm>>
      tpu.enqueue_indirect_dma source(%dma_start3A_811 : memref<1000000xf32, #tpu.memory_space<hbm>>) target(%arg6 : memref<512xf32, #tpu.memory_space<vmem>>) offsets(%arg5 : memref<512xi32, #tpu.memory_space<vmem>>) semaphore(%arg8 : memref<!tpu.dma_semaphore, #tpu.memory_space<semaphore_mem>>)
      %dma_wait3A = arith.constant 0 : i32
      %dma_wait3A_812 = tpu.memref_slice %arg3[%dma_wait3A] : memref<1000000xf32, #tpu.memory_space<hbm>> -> memref<1000000xf32, #tpu.memory_space<hbm>>
      tpu.wait_indirect_dma semaphore(%arg8 : memref<!tpu.dma_semaphore, #tpu.memory_space<semaphore_mem>>) src(%dma_wait3A_812 : memref<1000000xf32, #tpu.memory_space<hbm>>) dst(%arg6 : memref<512xf32, #tpu.memory_space<vmem>>)
      %get3A_813 = arith.constant 0 : index
      %get3A_814 = tpu.vector_load %arg7[%get3A_813] {strides = array<i32>} : memref<512xf32, #tpu.memory_space<vmem>>, vector<16xf32>,
      %get3A_815 = vector.shape_cast %get3A_814 : vector<16xf32> to vector<16xf32>
      %get3A_816 = arith.constant 0 : index
      %get3A_817 = tpu.vector_load %arg6[%get3A_816] {strides = array<i32>} : memref<512xf32, #tpu.memory_space<vmem>>, vector<16xf32>,
      %get3A_818 = vector.shape_cast %get3A_817 : vector<16xf32> to vector<16xf32>
      %add3A_819 = arith.addf %get3A_815, %get3A_818 : vector<16xf32>
      %swap3A_820 = arith.constant 0 : index
      %swap3A_821 = tpu.vector_load %arg7[%swap3A_820] {strides = array<i32>} : memref<512xf32, #tpu.memory_space<vmem>>, vector<16xf32>,
      %swap3A_822 = vector.shape_cast %swap3A_821 : vector<16xf32> to vector<16xf32>
      %swap3A_823 = vector.shape_cast %add3A_819 : vector<16xf32> to vector<16xf32>
      tpu.vector_store %arg7[%swap3A_820], %swap3A_823 {strides = array<i32>} : memref<512xf32, #tpu.memory_space<vmem>>, vector<16xf32>,
      %get3A_824 = arith.constant 16 : index
      %get3A_825 = tpu.vector_load %arg7[%get3A_824] {strides = array<i32>} : memref<512xf32, #tpu.memory_space<vmem>>, vector<16xf32>,
      %get3A_826 = vector.shape_cast %get3A_825 : vector<16xf32> to vector<16xf32>
      %get3A_827 = arith.constant 16 : index
      %get3A_828 = tpu.vector_load %arg6[%get3A_827] {strides = array<i32>} : memref<512xf32, #tpu.memory_space<vmem>>, vector<16xf32>,
      %get3A_829 = vector.shape_cast %get3A_828 : vector<16xf32> to vector<16xf32>
      %add3A_830 = arith.addf %get3A_826, %get3A_829 : vector<16xf32>
      %swap3A_831 = arith.constant 16 : index
      %swap3A_832 = tpu.vector_load %arg7[%swap3A_831] {strides = array<i32>} : memref<512xf32, #tpu.memory_space<vmem>>, vector<16xf32>,
      %swap3A_833 = vector.shape_cast %swap3A_832 : vector<16xf32> to vector<16xf32>
      %swap3A_834 = vector.shape_cast %add3A_830 : vector<16xf32> to vector<16xf32>
      tpu.vector_store %arg7[%swap3A_831], %swap3A_834 {strides = array<i32>} : memref<512xf32, #tpu.memory_space<vmem>>, vector<16xf32>,
      %get3A_835 = arith.constant 32 : index
      %get3A_836 = tpu.vector_load %arg7[%get3A_835] {strides = array<i32>} : memref<512xf32, #tpu.memory_space<vmem>>, vector<16xf32>,
      %get3A_837 = vector.shape_cast %get3A_836 : vector<16xf32> to vector<16xf32>
      %get3A_838 = arith.constant 32 : index
      %get3A_839 = tpu.vector_load %arg6[%get3A_838] {strides = array<i32>} : memref<512xf32, #tpu.memory_space<vmem>>, vector<16xf32>,
      %get3A_840 = vector.shape_cast %get3A_839 : vector<16xf32> to vector<16xf32>
      %add3A_841 = arith.addf %get3A_837, %get3A_840 : vector<16xf32>
      %swap3A_842 = arith.constant 32 : index
      %swap3A_843 = tpu.vector_load %arg7[%swap3A_842] {strides = array<i32>} : memref<512xf32, #tpu.memory_space<vmem>>, vector<16xf32>,
      %swap3A_844 = vector.shape_cast %swap3A_843 : vector<16xf32> to vector<16xf32>
      %swap3A_845 = vector.shape_cast %add3A_841 : vector<16xf32> to vector<16xf32>
      tpu.vector_store %arg7[%swap3A_842], %swap3A_845 {strides = array<i32>} : memref<512xf32, #tpu.memory_space<vmem>>, vector<16xf32>,
      %get3A_846 = arith.constant 48 : index
      %get3A_847 = tpu.vector_load %arg7[%get3A_846] {strides = array<i32>} : memref<512xf32, #tpu.memory_space<vmem>>, vector<16xf32>,
      %get3A_848 = vector.shape_cast %get3A_847 : vector<16xf32> to vector<16xf32>
      %get3A_849 = arith.constant 48 : index
      %get3A_850 = tpu.vector_load %arg6[%get3A_849] {strides = array<i32>} : memref<512xf32, #tpu.memory_space<vmem>>, vector<16xf32>,
      %get3A_851 = vector.shape_cast %get3A_850 : vector<16xf32> to vector<16xf32>
      %add3A_852 = arith.addf %get3A_848, %get3A_851 : vector<16xf32>
      %swap3A_853 = arith.constant 48 : index
      %swap3A_854 = tpu.vector_load %arg7[%swap3A_853] {strides = array<i32>} : memref<512xf32, #tpu.memory_space<vmem>>, vector<16xf32>,
      %swap3A_855 = vector.shape_cast %swap3A_854 : vector<16xf32> to vector<16xf32>
      %swap3A_856 = vector.shape_cast %add3A_852 : vector<16xf32> to vector<16xf32>
      tpu.vector_store %arg7[%swap3A_853], %swap3A_856 {strides = array<i32>} : memref<512xf32, #tpu.memory_space<vmem>>, vector<16xf32>,
      %get3A_857 = arith.constant 64 : index
      %get3A_858 = tpu.vector_load %arg7[%get3A_857] {strides = array<i32>} : memref<512xf32, #tpu.memory_space<vmem>>, vector<16xf32>,
      %get3A_859 = vector.shape_cast %get3A_858 : vector<16xf32> to vector<16xf32>
      %get3A_860 = arith.constant 64 : index
      %get3A_861 = tpu.vector_load %arg6[%get3A_860] {strides = array<i32>} : memref<512xf32, #tpu.memory_space<vmem>>, vector<16xf32>,
      %get3A_862 = vector.shape_cast %get3A_861 : vector<16xf32> to vector<16xf32>
      %add3A_863 = arith.addf %get3A_859, %get3A_862 : vector<16xf32>
      %swap3A_864 = arith.constant 64 : index
      %swap3A_865 = tpu.vector_load %arg7[%swap3A_864] {strides = array<i32>} : memref<512xf32, #tpu.memory_space<vmem>>, vector<16xf32>,
      %swap3A_866 = vector.shape_cast %swap3A_865 : vector<16xf32> to vector<16xf32>
      %swap3A_867 = vector.shape_cast %add3A_863 : vector<16xf32> to vector<16xf32>
      tpu.vector_store %arg7[%swap3A_864], %swap3A_867 {strides = array<i32>} : memref<512xf32, #tpu.memory_space<vmem>>, vector<16xf32>,
      %get3A_868 = arith.constant 80 : index
      %get3A_869 = tpu.vector_load %arg7[%get3A_868] {strides = array<i32>} : memref<512xf32, #tpu.memory_space<vmem>>, vector<16xf32>,
      %get3A_870 = vector.shape_cast %get3A_869 : vector<16xf32> to vector<16xf32>
      %get3A_871 = arith.constant 80 : index
      %get3A_872 = tpu.vector_load %arg6[%get3A_871] {strides = array<i32>} : memref<512xf32, #tpu.memory_space<vmem>>, vector<16xf32>,
      %get3A_873 = vector.shape_cast %get3A_872 : vector<16xf32> to vector<16xf32>
      %add3A_874 = arith.addf %get3A_870, %get3A_873 : vector<16xf32>
      %swap3A_875 = arith.constant 80 : index
      %swap3A_876 = tpu.vector_load %arg7[%swap3A_875] {strides = array<i32>} : memref<512xf32, #tpu.memory_space<vmem>>, vector<16xf32>,
      %swap3A_877 = vector.shape_cast %swap3A_876 : vector<16xf32> to vector<16xf32>
      %swap3A_878 = vector.shape_cast %add3A_874 : vector<16xf32> to vector<16xf32>
      tpu.vector_store %arg7[%swap3A_875], %swap3A_878 {strides = array<i32>} : memref<512xf32, #tpu.memory_space<vmem>>, vector<16xf32>,
      %get3A_879 = arith.constant 96 : index
      %get3A_880 = tpu.vector_load %arg7[%get3A_879] {strides = array<i32>} : memref<512xf32, #tpu.memory_space<vmem>>, vector<16xf32>,
      %get3A_881 = vector.shape_cast %get3A_880 : vector<16xf32> to vector<16xf32>
      %get3A_882 = arith.constant 96 : index
      %get3A_883 = tpu.vector_load %arg6[%get3A_882] {strides = array<i32>} : memref<512xf32, #tpu.memory_space<vmem>>, vector<16xf32>,
      %get3A_884 = vector.shape_cast %get3A_883 : vector<16xf32> to vector<16xf32>
      %add3A_885 = arith.addf %get3A_881, %get3A_884 : vector<16xf32>
      %swap3A_886 = arith.constant 96 : index
      %swap3A_887 = tpu.vector_load %arg7[%swap3A_886] {strides = array<i32>} : memref<512xf32, #tpu.memory_space<vmem>>, vector<16xf32>,
      %swap3A_888 = vector.shape_cast %swap3A_887 : vector<16xf32> to vector<16xf32>
      %swap3A_889 = vector.shape_cast %add3A_885 : vector<16xf32> to vector<16xf32>
      tpu.vector_store %arg7[%swap3A_886], %swap3A_889 {strides = array<i32>} : memref<512xf32, #tpu.memory_space<vmem>>, vector<16xf32>,
      %get3A_890 = arith.constant 112 : index
      %get3A_891 = tpu.vector_load %arg7[%get3A_890] {strides = array<i32>} : memref<512xf32, #tpu.memory_space<vmem>>, vector<16xf32>,
      %get3A_892 = vector.shape_cast %get3A_891 : vector<16xf32> to vector<16xf32>
      %get3A_893 = arith.constant 112 : index
      %get3A_894 = tpu.vector_load %arg6[%get3A_893] {strides = array<i32>} : memref<512xf32, #tpu.memory_space<vmem>>, vector<16xf32>,
      %get3A_895 = vector.shape_cast %get3A_894 : vector<16xf32> to vector<16xf32>
      %add3A_896 = arith.addf %get3A_892, %get3A_895 : vector<16xf32>
      %swap3A_897 = arith.constant 112 : index
      %swap3A_898 = tpu.vector_load %arg7[%swap3A_897] {strides = array<i32>} : memref<512xf32, #tpu.memory_space<vmem>>, vector<16xf32>,
      %swap3A_899 = vector.shape_cast %swap3A_898 : vector<16xf32> to vector<16xf32>
      %swap3A_900 = vector.shape_cast %add3A_896 : vector<16xf32> to vector<16xf32>
      tpu.vector_store %arg7[%swap3A_897], %swap3A_900 {strides = array<i32>} : memref<512xf32, #tpu.memory_space<vmem>>, vector<16xf32>,
      %get3A_901 = arith.constant 128 : index
      %get3A_902 = tpu.vector_load %arg7[%get3A_901] {strides = array<i32>} : memref<512xf32, #tpu.memory_space<vmem>>, vector<16xf32>,
      %get3A_903 = vector.shape_cast %get3A_902 : vector<16xf32> to vector<16xf32>
      %get3A_904 = arith.constant 128 : index
      %get3A_905 = tpu.vector_load %arg6[%get3A_904] {strides = array<i32>} : memref<512xf32, #tpu.memory_space<vmem>>, vector<16xf32>,
      %get3A_906 = vector.shape_cast %get3A_905 : vector<16xf32> to vector<16xf32>
      %add3A_907 = arith.addf %get3A_903, %get3A_906 : vector<16xf32>
      %swap3A_908 = arith.constant 128 : index
      %swap3A_909 = tpu.vector_load %arg7[%swap3A_908] {strides = array<i32>} : memref<512xf32, #tpu.memory_space<vmem>>, vector<16xf32>,
      %swap3A_910 = vector.shape_cast %swap3A_909 : vector<16xf32> to vector<16xf32>
      %swap3A_911 = vector.shape_cast %add3A_907 : vector<16xf32> to vector<16xf32>
      tpu.vector_store %arg7[%swap3A_908], %swap3A_911 {strides = array<i32>} : memref<512xf32, #tpu.memory_space<vmem>>, vector<16xf32>,
      %get3A_912 = arith.constant 144 : index
      %get3A_913 = tpu.vector_load %arg7[%get3A_912] {strides = array<i32>} : memref<512xf32, #tpu.memory_space<vmem>>, vector<16xf32>,
      %get3A_914 = vector.shape_cast %get3A_913 : vector<16xf32> to vector<16xf32>
      %get3A_915 = arith.constant 144 : index
      %get3A_916 = tpu.vector_load %arg6[%get3A_915] {strides = array<i32>} : memref<512xf32, #tpu.memory_space<vmem>>, vector<16xf32>,
      %get3A_917 = vector.shape_cast %get3A_916 : vector<16xf32> to vector<16xf32>
      %add3A_918 = arith.addf %get3A_914, %get3A_917 : vector<16xf32>
      %swap3A_919 = arith.constant 144 : index
      %swap3A_920 = tpu.vector_load %arg7[%swap3A_919] {strides = array<i32>} : memref<512xf32, #tpu.memory_space<vmem>>, vector<16xf32>,
      %swap3A_921 = vector.shape_cast %swap3A_920 : vector<16xf32> to vector<16xf32>
      %swap3A_922 = vector.shape_cast %add3A_918 : vector<16xf32> to vector<16xf32>
      tpu.vector_store %arg7[%swap3A_919], %swap3A_922 {strides = array<i32>} : memref<512xf32, #tpu.memory_space<vmem>>, vector<16xf32>,
      %get3A_923 = arith.constant 160 : index
      %get3A_924 = tpu.vector_load %arg7[%get3A_923] {strides = array<i32>} : memref<512xf32, #tpu.memory_space<vmem>>, vector<16xf32>,
      %get3A_925 = vector.shape_cast %get3A_924 : vector<16xf32> to vector<16xf32>
      %get3A_926 = arith.constant 160 : index
      %get3A_927 = tpu.vector_load %arg6[%get3A_926] {strides = array<i32>} : memref<512xf32, #tpu.memory_space<vmem>>, vector<16xf32>,
      %get3A_928 = vector.shape_cast %get3A_927 : vector<16xf32> to vector<16xf32>
      %add3A_929 = arith.addf %get3A_925, %get3A_928 : vector<16xf32>
      %swap3A_930 = arith.constant 160 : index
      %swap3A_931 = tpu.vector_load %arg7[%swap3A_930] {strides = array<i32>} : memref<512xf32, #tpu.memory_space<vmem>>, vector<16xf32>,
      %swap3A_932 = vector.shape_cast %swap3A_931 : vector<16xf32> to vector<16xf32>
      %swap3A_933 = vector.shape_cast %add3A_929 : vector<16xf32> to vector<16xf32>
      tpu.vector_store %arg7[%swap3A_930], %swap3A_933 {strides = array<i32>} : memref<512xf32, #tpu.memory_space<vmem>>, vector<16xf32>,
      %get3A_934 = arith.constant 176 : index
      %get3A_935 = tpu.vector_load %arg7[%get3A_934] {strides = array<i32>} : memref<512xf32, #tpu.memory_space<vmem>>, vector<16xf32>,
      %get3A_936 = vector.shape_cast %get3A_935 : vector<16xf32> to vector<16xf32>
      %get3A_937 = arith.constant 176 : index
      %get3A_938 = tpu.vector_load %arg6[%get3A_937] {strides = array<i32>} : memref<512xf32, #tpu.memory_space<vmem>>, vector<16xf32>,
      %get3A_939 = vector.shape_cast %get3A_938 : vector<16xf32> to vector<16xf32>
      %add3A_940 = arith.addf %get3A_936, %get3A_939 : vector<16xf32>
      %swap3A_941 = arith.constant 176 : index
      %swap3A_942 = tpu.vector_load %arg7[%swap3A_941] {strides = array<i32>} : memref<512xf32, #tpu.memory_space<vmem>>, vector<16xf32>,
      %swap3A_943 = vector.shape_cast %swap3A_942 : vector<16xf32> to vector<16xf32>
      %swap3A_944 = vector.shape_cast %add3A_940 : vector<16xf32> to vector<16xf32>
      tpu.vector_store %arg7[%swap3A_941], %swap3A_944 {strides = array<i32>} : memref<512xf32, #tpu.memory_space<vmem>>, vector<16xf32>,
      %get3A_945 = arith.constant 192 : index
      %get3A_946 = tpu.vector_load %arg7[%get3A_945] {strides = array<i32>} : memref<512xf32, #tpu.memory_space<vmem>>, vector<16xf32>,
      %get3A_947 = vector.shape_cast %get3A_946 : vector<16xf32> to vector<16xf32>
      %get3A_948 = arith.constant 192 : index
      %get3A_949 = tpu.vector_load %arg6[%get3A_948] {strides = array<i32>} : memref<512xf32, #tpu.memory_space<vmem>>, vector<16xf32>,
      %get3A_950 = vector.shape_cast %get3A_949 : vector<16xf32> to vector<16xf32>
      %add3A_951 = arith.addf %get3A_947, %get3A_950 : vector<16xf32>
      %swap3A_952 = arith.constant 192 : index
      %swap3A_953 = tpu.vector_load %arg7[%swap3A_952] {strides = array<i32>} : memref<512xf32, #tpu.memory_space<vmem>>, vector<16xf32>,
      %swap3A_954 = vector.shape_cast %swap3A_953 : vector<16xf32> to vector<16xf32>
      %swap3A_955 = vector.shape_cast %add3A_951 : vector<16xf32> to vector<16xf32>
      tpu.vector_store %arg7[%swap3A_952], %swap3A_955 {strides = array<i32>} : memref<512xf32, #tpu.memory_space<vmem>>, vector<16xf32>,
      %get3A_956 = arith.constant 208 : index
      %get3A_957 = tpu.vector_load %arg7[%get3A_956] {strides = array<i32>} : memref<512xf32, #tpu.memory_space<vmem>>, vector<16xf32>,
      %get3A_958 = vector.shape_cast %get3A_957 : vector<16xf32> to vector<16xf32>
      %get3A_959 = arith.constant 208 : index
      %get3A_960 = tpu.vector_load %arg6[%get3A_959] {strides = array<i32>} : memref<512xf32, #tpu.memory_space<vmem>>, vector<16xf32>,
      %get3A_961 = vector.shape_cast %get3A_960 : vector<16xf32> to vector<16xf32>
      %add3A_962 = arith.addf %get3A_958, %get3A_961 : vector<16xf32>
      %swap3A_963 = arith.constant 208 : index
      %swap3A_964 = tpu.vector_load %arg7[%swap3A_963] {strides = array<i32>} : memref<512xf32, #tpu.memory_space<vmem>>, vector<16xf32>,
      %swap3A_965 = vector.shape_cast %swap3A_964 : vector<16xf32> to vector<16xf32>
      %swap3A_966 = vector.shape_cast %add3A_962 : vector<16xf32> to vector<16xf32>
      tpu.vector_store %arg7[%swap3A_963], %swap3A_966 {strides = array<i32>} : memref<512xf32, #tpu.memory_space<vmem>>, vector<16xf32>,
      %get3A_967 = arith.constant 224 : index
      %get3A_968 = tpu.vector_load %arg7[%get3A_967] {strides = array<i32>} : memref<512xf32, #tpu.memory_space<vmem>>, vector<16xf32>,
      %get3A_969 = vector.shape_cast %get3A_968 : vector<16xf32> to vector<16xf32>
      %get3A_970 = arith.constant 224 : index
      %get3A_971 = tpu.vector_load %arg6[%get3A_970] {strides = array<i32>} : memref<512xf32, #tpu.memory_space<vmem>>, vector<16xf32>,
      %get3A_972 = vector.shape_cast %get3A_971 : vector<16xf32> to vector<16xf32>
      %add3A_973 = arith.addf %get3A_969, %get3A_972 : vector<16xf32>
      %swap3A_974 = arith.constant 224 : index
      %swap3A_975 = tpu.vector_load %arg7[%swap3A_974] {strides = array<i32>} : memref<512xf32, #tpu.memory_space<vmem>>, vector<16xf32>,
      %swap3A_976 = vector.shape_cast %swap3A_975 : vector<16xf32> to vector<16xf32>
      %swap3A_977 = vector.shape_cast %add3A_973 : vector<16xf32> to vector<16xf32>
      tpu.vector_store %arg7[%swap3A_974], %swap3A_977 {strides = array<i32>} : memref<512xf32, #tpu.memory_space<vmem>>, vector<16xf32>,
      %get3A_978 = arith.constant 240 : index
      %get3A_979 = tpu.vector_load %arg7[%get3A_978] {strides = array<i32>} : memref<512xf32, #tpu.memory_space<vmem>>, vector<16xf32>,
      %get3A_980 = vector.shape_cast %get3A_979 : vector<16xf32> to vector<16xf32>
      %get3A_981 = arith.constant 240 : index
      %get3A_982 = tpu.vector_load %arg6[%get3A_981] {strides = array<i32>} : memref<512xf32, #tpu.memory_space<vmem>>, vector<16xf32>,
      %get3A_983 = vector.shape_cast %get3A_982 : vector<16xf32> to vector<16xf32>
      %add3A_984 = arith.addf %get3A_980, %get3A_983 : vector<16xf32>
      %swap3A_985 = arith.constant 240 : index
      %swap3A_986 = tpu.vector_load %arg7[%swap3A_985] {strides = array<i32>} : memref<512xf32, #tpu.memory_space<vmem>>, vector<16xf32>,
      %swap3A_987 = vector.shape_cast %swap3A_986 : vector<16xf32> to vector<16xf32>
      %swap3A_988 = vector.shape_cast %add3A_984 : vector<16xf32> to vector<16xf32>
      tpu.vector_store %arg7[%swap3A_985], %swap3A_988 {strides = array<i32>} : memref<512xf32, #tpu.memory_space<vmem>>, vector<16xf32>,
      %get3A_989 = arith.constant 256 : index
      %get3A_990 = tpu.vector_load %arg7[%get3A_989] {strides = array<i32>} : memref<512xf32, #tpu.memory_space<vmem>>, vector<16xf32>,
      %get3A_991 = vector.shape_cast %get3A_990 : vector<16xf32> to vector<16xf32>
      %get3A_992 = arith.constant 256 : index
      %get3A_993 = tpu.vector_load %arg6[%get3A_992] {strides = array<i32>} : memref<512xf32, #tpu.memory_space<vmem>>, vector<16xf32>,
      %get3A_994 = vector.shape_cast %get3A_993 : vector<16xf32> to vector<16xf32>
      %add3A_995 = arith.addf %get3A_991, %get3A_994 : vector<16xf32>
      %swap3A_996 = arith.constant 256 : index
      %swap3A_997 = tpu.vector_load %arg7[%swap3A_996] {strides = array<i32>} : memref<512xf32, #tpu.memory_space<vmem>>, vector<16xf32>,
      %swap3A_998 = vector.shape_cast %swap3A_997 : vector<16xf32> to vector<16xf32>
      %swap3A_999 = vector.shape_cast %add3A_995 : vector<16xf32> to vector<16xf32>
      tpu.vector_store %arg7[%swap3A_996], %swap3A_999 {strides = array<i32>} : memref<512xf32, #tpu.memory_space<vmem>>, vector<16xf32>,
      %get3A_1000 = arith.constant 272 : index
      %get3A_1001 = tpu.vector_load %arg7[%get3A_1000] {strides = array<i32>} : memref<512xf32, #tpu.memory_space<vmem>>, vector<16xf32>,
      %get3A_1002 = vector.shape_cast %get3A_1001 : vector<16xf32> to vector<16xf32>
      %get3A_1003 = arith.constant 272 : index
      %get3A_1004 = tpu.vector_load %arg6[%get3A_1003] {strides = array<i32>} : memref<512xf32, #tpu.memory_space<vmem>>, vector<16xf32>,
      %get3A_1005 = vector.shape_cast %get3A_1004 : vector<16xf32> to vector<16xf32>
      %add3A_1006 = arith.addf %get3A_1002, %get3A_1005 : vector<16xf32>
      %swap3A_1007 = arith.constant 272 : index
      %swap3A_1008 = tpu.vector_load %arg7[%swap3A_1007] {strides = array<i32>} : memref<512xf32, #tpu.memory_space<vmem>>, vector<16xf32>,
      %swap3A_1009 = vector.shape_cast %swap3A_1008 : vector<16xf32> to vector<16xf32>
      %swap3A_1010 = vector.shape_cast %add3A_1006 : vector<16xf32> to vector<16xf32>
      tpu.vector_store %arg7[%swap3A_1007], %swap3A_1010 {strides = array<i32>} : memref<512xf32, #tpu.memory_space<vmem>>, vector<16xf32>,
      %get3A_1011 = arith.constant 288 : index
      %get3A_1012 = tpu.vector_load %arg7[%get3A_1011] {strides = array<i32>} : memref<512xf32, #tpu.memory_space<vmem>>, vector<16xf32>,
      %get3A_1013 = vector.shape_cast %get3A_1012 : vector<16xf32> to vector<16xf32>
      %get3A_1014 = arith.constant 288 : index
      %get3A_1015 = tpu.vector_load %arg6[%get3A_1014] {strides = array<i32>} : memref<512xf32, #tpu.memory_space<vmem>>, vector<16xf32>,
      %get3A_1016 = vector.shape_cast %get3A_1015 : vector<16xf32> to vector<16xf32>
      %add3A_1017 = arith.addf %get3A_1013, %get3A_1016 : vector<16xf32>
      %swap3A_1018 = arith.constant 288 : index
      %swap3A_1019 = tpu.vector_load %arg7[%swap3A_1018] {strides = array<i32>} : memref<512xf32, #tpu.memory_space<vmem>>, vector<16xf32>,
      %swap3A_1020 = vector.shape_cast %swap3A_1019 : vector<16xf32> to vector<16xf32>
      %swap3A_1021 = vector.shape_cast %add3A_1017 : vector<16xf32> to vector<16xf32>
      tpu.vector_store %arg7[%swap3A_1018], %swap3A_1021 {strides = array<i32>} : memref<512xf32, #tpu.memory_space<vmem>>, vector<16xf32>,
      %get3A_1022 = arith.constant 304 : index
      %get3A_1023 = tpu.vector_load %arg7[%get3A_1022] {strides = array<i32>} : memref<512xf32, #tpu.memory_space<vmem>>, vector<16xf32>,
      %get3A_1024 = vector.shape_cast %get3A_1023 : vector<16xf32> to vector<16xf32>
      %get3A_1025 = arith.constant 304 : index
      %get3A_1026 = tpu.vector_load %arg6[%get3A_1025] {strides = array<i32>} : memref<512xf32, #tpu.memory_space<vmem>>, vector<16xf32>,
      %get3A_1027 = vector.shape_cast %get3A_1026 : vector<16xf32> to vector<16xf32>
      %add3A_1028 = arith.addf %get3A_1024, %get3A_1027 : vector<16xf32>
      %swap3A_1029 = arith.constant 304 : index
      %swap3A_1030 = tpu.vector_load %arg7[%swap3A_1029] {strides = array<i32>} : memref<512xf32, #tpu.memory_space<vmem>>, vector<16xf32>,
      %swap3A_1031 = vector.shape_cast %swap3A_1030 : vector<16xf32> to vector<16xf32>
      %swap3A_1032 = vector.shape_cast %add3A_1028 : vector<16xf32> to vector<16xf32>
      tpu.vector_store %arg7[%swap3A_1029], %swap3A_1032 {strides = array<i32>} : memref<512xf32, #tpu.memory_space<vmem>>, vector<16xf32>,
      %get3A_1033 = arith.constant 320 : index
      %get3A_1034 = tpu.vector_load %arg7[%get3A_1033] {strides = array<i32>} : memref<512xf32, #tpu.memory_space<vmem>>, vector<16xf32>,
      %get3A_1035 = vector.shape_cast %get3A_1034 : vector<16xf32> to vector<16xf32>
      %get3A_1036 = arith.constant 320 : index
      %get3A_1037 = tpu.vector_load %arg6[%get3A_1036] {strides = array<i32>} : memref<512xf32, #tpu.memory_space<vmem>>, vector<16xf32>,
      %get3A_1038 = vector.shape_cast %get3A_1037 : vector<16xf32> to vector<16xf32>
      %add3A_1039 = arith.addf %get3A_1035, %get3A_1038 : vector<16xf32>
      %swap3A_1040 = arith.constant 320 : index
      %swap3A_1041 = tpu.vector_load %arg7[%swap3A_1040] {strides = array<i32>} : memref<512xf32, #tpu.memory_space<vmem>>, vector<16xf32>,
      %swap3A_1042 = vector.shape_cast %swap3A_1041 : vector<16xf32> to vector<16xf32>
      %swap3A_1043 = vector.shape_cast %add3A_1039 : vector<16xf32> to vector<16xf32>
      tpu.vector_store %arg7[%swap3A_1040], %swap3A_1043 {strides = array<i32>} : memref<512xf32, #tpu.memory_space<vmem>>, vector<16xf32>,
      %get3A_1044 = arith.constant 336 : index
      %get3A_1045 = tpu.vector_load %arg7[%get3A_1044] {strides = array<i32>} : memref<512xf32, #tpu.memory_space<vmem>>, vector<16xf32>,
      %get3A_1046 = vector.shape_cast %get3A_1045 : vector<16xf32> to vector<16xf32>
      %get3A_1047 = arith.constant 336 : index
      %get3A_1048 = tpu.vector_load %arg6[%get3A_1047] {strides = array<i32>} : memref<512xf32, #tpu.memory_space<vmem>>, vector<16xf32>,
      %get3A_1049 = vector.shape_cast %get3A_1048 : vector<16xf32> to vector<16xf32>
      %add3A_1050 = arith.addf %get3A_1046, %get3A_1049 : vector<16xf32>
      %swap3A_1051 = arith.constant 336 : index
      %swap3A_1052 = tpu.vector_load %arg7[%swap3A_1051] {strides = array<i32>} : memref<512xf32, #tpu.memory_space<vmem>>, vector<16xf32>,
      %swap3A_1053 = vector.shape_cast %swap3A_1052 : vector<16xf32> to vector<16xf32>
      %swap3A_1054 = vector.shape_cast %add3A_1050 : vector<16xf32> to vector<16xf32>
      tpu.vector_store %arg7[%swap3A_1051], %swap3A_1054 {strides = array<i32>} : memref<512xf32, #tpu.memory_space<vmem>>, vector<16xf32>,
      %get3A_1055 = arith.constant 352 : index
      %get3A_1056 = tpu.vector_load %arg7[%get3A_1055] {strides = array<i32>} : memref<512xf32, #tpu.memory_space<vmem>>, vector<16xf32>,
      %get3A_1057 = vector.shape_cast %get3A_1056 : vector<16xf32> to vector<16xf32>
      %get3A_1058 = arith.constant 352 : index
      %get3A_1059 = tpu.vector_load %arg6[%get3A_1058] {strides = array<i32>} : memref<512xf32, #tpu.memory_space<vmem>>, vector<16xf32>,
      %get3A_1060 = vector.shape_cast %get3A_1059 : vector<16xf32> to vector<16xf32>
      %add3A_1061 = arith.addf %get3A_1057, %get3A_1060 : vector<16xf32>
      %swap3A_1062 = arith.constant 352 : index
      %swap3A_1063 = tpu.vector_load %arg7[%swap3A_1062] {strides = array<i32>} : memref<512xf32, #tpu.memory_space<vmem>>, vector<16xf32>,
      %swap3A_1064 = vector.shape_cast %swap3A_1063 : vector<16xf32> to vector<16xf32>
      %swap3A_1065 = vector.shape_cast %add3A_1061 : vector<16xf32> to vector<16xf32>
      tpu.vector_store %arg7[%swap3A_1062], %swap3A_1065 {strides = array<i32>} : memref<512xf32, #tpu.memory_space<vmem>>, vector<16xf32>,
      %get3A_1066 = arith.constant 368 : index
      %get3A_1067 = tpu.vector_load %arg7[%get3A_1066] {strides = array<i32>} : memref<512xf32, #tpu.memory_space<vmem>>, vector<16xf32>,
      %get3A_1068 = vector.shape_cast %get3A_1067 : vector<16xf32> to vector<16xf32>
      %get3A_1069 = arith.constant 368 : index
      %get3A_1070 = tpu.vector_load %arg6[%get3A_1069] {strides = array<i32>} : memref<512xf32, #tpu.memory_space<vmem>>, vector<16xf32>,
      %get3A_1071 = vector.shape_cast %get3A_1070 : vector<16xf32> to vector<16xf32>
      %add3A_1072 = arith.addf %get3A_1068, %get3A_1071 : vector<16xf32>
      %swap3A_1073 = arith.constant 368 : index
      %swap3A_1074 = tpu.vector_load %arg7[%swap3A_1073] {strides = array<i32>} : memref<512xf32, #tpu.memory_space<vmem>>, vector<16xf32>,
      %swap3A_1075 = vector.shape_cast %swap3A_1074 : vector<16xf32> to vector<16xf32>
      %swap3A_1076 = vector.shape_cast %add3A_1072 : vector<16xf32> to vector<16xf32>
      tpu.vector_store %arg7[%swap3A_1073], %swap3A_1076 {strides = array<i32>} : memref<512xf32, #tpu.memory_space<vmem>>, vector<16xf32>,
      %get3A_1077 = arith.constant 384 : index
      %get3A_1078 = tpu.vector_load %arg7[%get3A_1077] {strides = array<i32>} : memref<512xf32, #tpu.memory_space<vmem>>, vector<16xf32>,
      %get3A_1079 = vector.shape_cast %get3A_1078 : vector<16xf32> to vector<16xf32>
      %get3A_1080 = arith.constant 384 : index
      %get3A_1081 = tpu.vector_load %arg6[%get3A_1080] {strides = array<i32>} : memref<512xf32, #tpu.memory_space<vmem>>, vector<16xf32>,
      %get3A_1082 = vector.shape_cast %get3A_1081 : vector<16xf32> to vector<16xf32>
      %add3A_1083 = arith.addf %get3A_1079, %get3A_1082 : vector<16xf32>
      %swap3A_1084 = arith.constant 384 : index
      %swap3A_1085 = tpu.vector_load %arg7[%swap3A_1084] {strides = array<i32>} : memref<512xf32, #tpu.memory_space<vmem>>, vector<16xf32>,
      %swap3A_1086 = vector.shape_cast %swap3A_1085 : vector<16xf32> to vector<16xf32>
      %swap3A_1087 = vector.shape_cast %add3A_1083 : vector<16xf32> to vector<16xf32>
      tpu.vector_store %arg7[%swap3A_1084], %swap3A_1087 {strides = array<i32>} : memref<512xf32, #tpu.memory_space<vmem>>, vector<16xf32>,
      %get3A_1088 = arith.constant 400 : index
      %get3A_1089 = tpu.vector_load %arg7[%get3A_1088] {strides = array<i32>} : memref<512xf32, #tpu.memory_space<vmem>>, vector<16xf32>,
      %get3A_1090 = vector.shape_cast %get3A_1089 : vector<16xf32> to vector<16xf32>
      %get3A_1091 = arith.constant 400 : index
      %get3A_1092 = tpu.vector_load %arg6[%get3A_1091] {strides = array<i32>} : memref<512xf32, #tpu.memory_space<vmem>>, vector<16xf32>,
      %get3A_1093 = vector.shape_cast %get3A_1092 : vector<16xf32> to vector<16xf32>
      %add3A_1094 = arith.addf %get3A_1090, %get3A_1093 : vector<16xf32>
      %swap3A_1095 = arith.constant 400 : index
      %swap3A_1096 = tpu.vector_load %arg7[%swap3A_1095] {strides = array<i32>} : memref<512xf32, #tpu.memory_space<vmem>>, vector<16xf32>,
      %swap3A_1097 = vector.shape_cast %swap3A_1096 : vector<16xf32> to vector<16xf32>
      %swap3A_1098 = vector.shape_cast %add3A_1094 : vector<16xf32> to vector<16xf32>
      tpu.vector_store %arg7[%swap3A_1095], %swap3A_1098 {strides = array<i32>} : memref<512xf32, #tpu.memory_space<vmem>>, vector<16xf32>,
      %get3A_1099 = arith.constant 416 : index
      %get3A_1100 = tpu.vector_load %arg7[%get3A_1099] {strides = array<i32>} : memref<512xf32, #tpu.memory_space<vmem>>, vector<16xf32>,
      %get3A_1101 = vector.shape_cast %get3A_1100 : vector<16xf32> to vector<16xf32>
      %get3A_1102 = arith.constant 416 : index
      %get3A_1103 = tpu.vector_load %arg6[%get3A_1102] {strides = array<i32>} : memref<512xf32, #tpu.memory_space<vmem>>, vector<16xf32>,
      %get3A_1104 = vector.shape_cast %get3A_1103 : vector<16xf32> to vector<16xf32>
      %add3A_1105 = arith.addf %get3A_1101, %get3A_1104 : vector<16xf32>
      %swap3A_1106 = arith.constant 416 : index
      %swap3A_1107 = tpu.vector_load %arg7[%swap3A_1106] {strides = array<i32>} : memref<512xf32, #tpu.memory_space<vmem>>, vector<16xf32>,
      %swap3A_1108 = vector.shape_cast %swap3A_1107 : vector<16xf32> to vector<16xf32>
      %swap3A_1109 = vector.shape_cast %add3A_1105 : vector<16xf32> to vector<16xf32>
      tpu.vector_store %arg7[%swap3A_1106], %swap3A_1109 {strides = array<i32>} : memref<512xf32, #tpu.memory_space<vmem>>, vector<16xf32>,
      %get3A_1110 = arith.constant 432 : index
      %get3A_1111 = tpu.vector_load %arg7[%get3A_1110] {strides = array<i32>} : memref<512xf32, #tpu.memory_space<vmem>>, vector<16xf32>,
      %get3A_1112 = vector.shape_cast %get3A_1111 : vector<16xf32> to vector<16xf32>
      %get3A_1113 = arith.constant 432 : index
      %get3A_1114 = tpu.vector_load %arg6[%get3A_1113] {strides = array<i32>} : memref<512xf32, #tpu.memory_space<vmem>>, vector<16xf32>,
      %get3A_1115 = vector.shape_cast %get3A_1114 : vector<16xf32> to vector<16xf32>
      %add3A_1116 = arith.addf %get3A_1112, %get3A_1115 : vector<16xf32>
      %swap3A_1117 = arith.constant 432 : index
      %swap3A_1118 = tpu.vector_load %arg7[%swap3A_1117] {strides = array<i32>} : memref<512xf32, #tpu.memory_space<vmem>>, vector<16xf32>,
      %swap3A_1119 = vector.shape_cast %swap3A_1118 : vector<16xf32> to vector<16xf32>
      %swap3A_1120 = vector.shape_cast %add3A_1116 : vector<16xf32> to vector<16xf32>
      tpu.vector_store %arg7[%swap3A_1117], %swap3A_1120 {strides = array<i32>} : memref<512xf32, #tpu.memory_space<vmem>>, vector<16xf32>,
      %get3A_1121 = arith.constant 448 : index
      %get3A_1122 = tpu.vector_load %arg7[%get3A_1121] {strides = array<i32>} : memref<512xf32, #tpu.memory_space<vmem>>, vector<16xf32>,
      %get3A_1123 = vector.shape_cast %get3A_1122 : vector<16xf32> to vector<16xf32>
      %get3A_1124 = arith.constant 448 : index
      %get3A_1125 = tpu.vector_load %arg6[%get3A_1124] {strides = array<i32>} : memref<512xf32, #tpu.memory_space<vmem>>, vector<16xf32>,
      %get3A_1126 = vector.shape_cast %get3A_1125 : vector<16xf32> to vector<16xf32>
      %add3A_1127 = arith.addf %get3A_1123, %get3A_1126 : vector<16xf32>
      %swap3A_1128 = arith.constant 448 : index
      %swap3A_1129 = tpu.vector_load %arg7[%swap3A_1128] {strides = array<i32>} : memref<512xf32, #tpu.memory_space<vmem>>, vector<16xf32>,
      %swap3A_1130 = vector.shape_cast %swap3A_1129 : vector<16xf32> to vector<16xf32>
      %swap3A_1131 = vector.shape_cast %add3A_1127 : vector<16xf32> to vector<16xf32>
      tpu.vector_store %arg7[%swap3A_1128], %swap3A_1131 {strides = array<i32>} : memref<512xf32, #tpu.memory_space<vmem>>, vector<16xf32>,
      %get3A_1132 = arith.constant 464 : index
      %get3A_1133 = tpu.vector_load %arg7[%get3A_1132] {strides = array<i32>} : memref<512xf32, #tpu.memory_space<vmem>>, vector<16xf32>,
      %get3A_1134 = vector.shape_cast %get3A_1133 : vector<16xf32> to vector<16xf32>
      %get3A_1135 = arith.constant 464 : index
      %get3A_1136 = tpu.vector_load %arg6[%get3A_1135] {strides = array<i32>} : memref<512xf32, #tpu.memory_space<vmem>>, vector<16xf32>,
      %get3A_1137 = vector.shape_cast %get3A_1136 : vector<16xf32> to vector<16xf32>
      %add3A_1138 = arith.addf %get3A_1134, %get3A_1137 : vector<16xf32>
      %swap3A_1139 = arith.constant 464 : index
      %swap3A_1140 = tpu.vector_load %arg7[%swap3A_1139] {strides = array<i32>} : memref<512xf32, #tpu.memory_space<vmem>>, vector<16xf32>,
      %swap3A_1141 = vector.shape_cast %swap3A_1140 : vector<16xf32> to vector<16xf32>
      %swap3A_1142 = vector.shape_cast %add3A_1138 : vector<16xf32> to vector<16xf32>
      tpu.vector_store %arg7[%swap3A_1139], %swap3A_1142 {strides = array<i32>} : memref<512xf32, #tpu.memory_space<vmem>>, vector<16xf32>,
      %get3A_1143 = arith.constant 480 : index
      %get3A_1144 = tpu.vector_load %arg7[%get3A_1143] {strides = array<i32>} : memref<512xf32, #tpu.memory_space<vmem>>, vector<16xf32>,
      %get3A_1145 = vector.shape_cast %get3A_1144 : vector<16xf32> to vector<16xf32>
      %get3A_1146 = arith.constant 480 : index
      %get3A_1147 = tpu.vector_load %arg6[%get3A_1146] {strides = array<i32>} : memref<512xf32, #tpu.memory_space<vmem>>, vector<16xf32>,
      %get3A_1148 = vector.shape_cast %get3A_1147 : vector<16xf32> to vector<16xf32>
      %add3A_1149 = arith.addf %get3A_1145, %get3A_1148 : vector<16xf32>
      %swap3A_1150 = arith.constant 480 : index
      %swap3A_1151 = tpu.vector_load %arg7[%swap3A_1150] {strides = array<i32>} : memref<512xf32, #tpu.memory_space<vmem>>, vector<16xf32>,
      %swap3A_1152 = vector.shape_cast %swap3A_1151 : vector<16xf32> to vector<16xf32>
      %swap3A_1153 = vector.shape_cast %add3A_1149 : vector<16xf32> to vector<16xf32>
      tpu.vector_store %arg7[%swap3A_1150], %swap3A_1153 {strides = array<i32>} : memref<512xf32, #tpu.memory_space<vmem>>, vector<16xf32>,
      %get3A_1154 = arith.constant 496 : index
      %get3A_1155 = tpu.vector_load %arg7[%get3A_1154] {strides = array<i32>} : memref<512xf32, #tpu.memory_space<vmem>>, vector<16xf32>,
      %get3A_1156 = vector.shape_cast %get3A_1155 : vector<16xf32> to vector<16xf32>
      %get3A_1157 = arith.constant 496 : index
      %get3A_1158 = tpu.vector_load %arg6[%get3A_1157] {strides = array<i32>} : memref<512xf32, #tpu.memory_space<vmem>>, vector<16xf32>,
      %get3A_1159 = vector.shape_cast %get3A_1158 : vector<16xf32> to vector<16xf32>
      %add3A_1160 = arith.addf %get3A_1156, %get3A_1159 : vector<16xf32>
      %swap3A_1161 = arith.constant 496 : index
      %swap3A_1162 = tpu.vector_load %arg7[%swap3A_1161] {strides = array<i32>} : memref<512xf32, #tpu.memory_space<vmem>>, vector<16xf32>,
      %swap3A_1163 = vector.shape_cast %swap3A_1162 : vector<16xf32> to vector<16xf32>
      %swap3A_1164 = vector.shape_cast %add3A_1160 : vector<16xf32> to vector<16xf32>
      tpu.vector_store %arg7[%swap3A_1161], %swap3A_1164 {strides = array<i32>} : memref<512xf32, #tpu.memory_space<vmem>>, vector<16xf32>,
    }
    %scan3A_261 = arith.constant 100 : i32
    %get3A_262 = arith.constant 0 : index
    %get3A_263 = tpu.vector_load %arg7[%get3A_262] {strides = array<i32>} : memref<512xf32, #tpu.memory_space<vmem>>, vector<16xf32>,
    %get3A_264 = vector.shape_cast %get3A_263 : vector<16xf32> to vector<16xf32>
    %neg3A = arith.constant 0.000000e+00 : f32
    %neg3A_265 = vector.broadcast %neg3A : f32 to vector<16xf32>
    %neg3A_266 = arith.subf %neg3A_265, %get3A_264 : vector<16xf32>
    %exp3A = math.exp %neg3A_266 : vector<16xf32>
    %add3A_267 = arith.constant 1.000000e+00 : f32
    %add3A_268 = vector.broadcast %add3A_267 : f32 to vector<16xf32>
    %add3A_269 = arith.addf %add3A_268, %exp3A : vector<16xf32>
    %div3A = arith.constant 1.000000e+00 : f32
    %div3A_270 = vector.broadcast %div3A : f32 to vector<16xf32>
    %div3A_271 = arith.divf %div3A_270, %add3A_269 : vector<16xf32>
    %swap3A_272 = arith.constant 0 : index
    %swap3A_273 = tpu.vector_load %arg7[%swap3A_272] {strides = array<i32>} : memref<512xf32, #tpu.memory_space<vmem>>, vector<16xf32>,
    %swap3A_274 = vector.shape_cast %swap3A_273 : vector<16xf32> to vector<16xf32>
    %swap3A_275 = vector.shape_cast %div3A_271 : vector<16xf32> to vector<16xf32>
    tpu.vector_store %arg7[%swap3A_272], %swap3A_275 {strides = array<i32>} : memref<512xf32, #tpu.memory_space<vmem>>, vector<16xf32>,
    %get3A_276 = arith.constant 16 : index
    %get3A_277 = tpu.vector_load %arg7[%get3A_276] {strides = array<i32>} : memref<512xf32, #tpu.memory_space<vmem>>, vector<16xf32>,
    %get3A_278 = vector.shape_cast %get3A_277 : vector<16xf32> to vector<16xf32>
    %neg3A_279 = arith.constant 0.000000e+00 : f32
    %neg3A_280 = vector.broadcast %neg3A_279 : f32 to vector<16xf32>
    %neg3A_281 = arith.subf %neg3A_280, %get3A_278 : vector<16xf32>
    %exp3A_282 = math.exp %neg3A_281 : vector<16xf32>
    %add3A_283 = arith.constant 1.000000e+00 : f32
    %add3A_284 = vector.broadcast %add3A_283 : f32 to vector<16xf32>
    %add3A_285 = arith.addf %add3A_284, %exp3A_282 : vector<16xf32>
    %div3A_286 = arith.constant 1.000000e+00 : f32
    %div3A_287 = vector.broadcast %div3A_286 : f32 to vector<16xf32>
    %div3A_288 = arith.divf %div3A_287, %add3A_285 : vector<16xf32>
    %swap3A_289 = arith.constant 16 : index
    %swap3A_290 = tpu.vector_load %arg7[%swap3A_289] {strides = array<i32>} : memref<512xf32, #tpu.memory_space<vmem>>, vector<16xf32>,
    %swap3A_291 = vector.shape_cast %swap3A_290 : vector<16xf32> to vector<16xf32>
    %swap3A_292 = vector.shape_cast %div3A_288 : vector<16xf32> to vector<16xf32>
    tpu.vector_store %arg7[%swap3A_289], %swap3A_292 {strides = array<i32>} : memref<512xf32, #tpu.memory_space<vmem>>, vector<16xf32>,
    %get3A_293 = arith.constant 32 : index
    %get3A_294 = tpu.vector_load %arg7[%get3A_293] {strides = array<i32>} : memref<512xf32, #tpu.memory_space<vmem>>, vector<16xf32>,
    %get3A_295 = vector.shape_cast %get3A_294 : vector<16xf32> to vector<16xf32>
    %neg3A_296 = arith.constant 0.000000e+00 : f32
    %neg3A_297 = vector.broadcast %neg3A_296 : f32 to vector<16xf32>
    %neg3A_298 = arith.subf %neg3A_297, %get3A_295 : vector<16xf32>
    %exp3A_299 = math.exp %neg3A_298 : vector<16xf32>
    %add3A_300 = arith.constant 1.000000e+00 : f32
    %add3A_301 = vector.broadcast %add3A_300 : f32 to vector<16xf32>
    %add3A_302 = arith.addf %add3A_301, %exp3A_299 : vector<16xf32>
    %div3A_303 = arith.constant 1.000000e+00 : f32
    %div3A_304 = vector.broadcast %div3A_303 : f32 to vector<16xf32>
    %div3A_305 = arith.divf %div3A_304, %add3A_302 : vector<16xf32>
    %swap3A_306 = arith.constant 32 : index
    %swap3A_307 = tpu.vector_load %arg7[%swap3A_306] {strides = array<i32>} : memref<512xf32, #tpu.memory_space<vmem>>, vector<16xf32>,
    %swap3A_308 = vector.shape_cast %swap3A_307 : vector<16xf32> to vector<16xf32>
    %swap3A_309 = vector.shape_cast %div3A_305 : vector<16xf32> to vector<16xf32>
    tpu.vector_store %arg7[%swap3A_306], %swap3A_309 {strides = array<i32>} : memref<512xf32, #tpu.memory_space<vmem>>, vector<16xf32>,
    %get3A_310 = arith.constant 48 : index
    %get3A_311 = tpu.vector_load %arg7[%get3A_310] {strides = array<i32>} : memref<512xf32, #tpu.memory_space<vmem>>, vector<16xf32>,
    %get3A_312 = vector.shape_cast %get3A_311 : vector<16xf32> to vector<16xf32>
    %neg3A_313 = arith.constant 0.000000e+00 : f32
    %neg3A_314 = vector.broadcast %neg3A_313 : f32 to vector<16xf32>
    %neg3A_315 = arith.subf %neg3A_314, %get3A_312 : vector<16xf32>
    %exp3A_316 = math.exp %neg3A_315 : vector<16xf32>
    %add3A_317 = arith.constant 1.000000e+00 : f32
    %add3A_318 = vector.broadcast %add3A_317 : f32 to vector<16xf32>
    %add3A_319 = arith.addf %add3A_318, %exp3A_316 : vector<16xf32>
    %div3A_320 = arith.constant 1.000000e+00 : f32
    %div3A_321 = vector.broadcast %div3A_320 : f32 to vector<16xf32>
    %div3A_322 = arith.divf %div3A_321, %add3A_319 : vector<16xf32>
    %swap3A_323 = arith.constant 48 : index
    %swap3A_324 = tpu.vector_load %arg7[%swap3A_323] {strides = array<i32>} : memref<512xf32, #tpu.memory_space<vmem>>, vector<16xf32>,
    %swap3A_325 = vector.shape_cast %swap3A_324 : vector<16xf32> to vector<16xf32>
    %swap3A_326 = vector.shape_cast %div3A_322 : vector<16xf32> to vector<16xf32>
    tpu.vector_store %arg7[%swap3A_323], %swap3A_326 {strides = array<i32>} : memref<512xf32, #tpu.memory_space<vmem>>, vector<16xf32>,
    %get3A_327 = arith.constant 64 : index
    %get3A_328 = tpu.vector_load %arg7[%get3A_327] {strides = array<i32>} : memref<512xf32, #tpu.memory_space<vmem>>, vector<16xf32>,
    %get3A_329 = vector.shape_cast %get3A_328 : vector<16xf32> to vector<16xf32>
    %neg3A_330 = arith.constant 0.000000e+00 : f32
    %neg3A_331 = vector.broadcast %neg3A_330 : f32 to vector<16xf32>
    %neg3A_332 = arith.subf %neg3A_331, %get3A_329 : vector<16xf32>
    %exp3A_333 = math.exp %neg3A_332 : vector<16xf32>
    %add3A_334 = arith.constant 1.000000e+00 : f32
    %add3A_335 = vector.broadcast %add3A_334 : f32 to vector<16xf32>
    %add3A_336 = arith.addf %add3A_335, %exp3A_333 : vector<16xf32>
    %div3A_337 = arith.constant 1.000000e+00 : f32
    %div3A_338 = vector.broadcast %div3A_337 : f32 to vector<16xf32>
    %div3A_339 = arith.divf %div3A_338, %add3A_336 : vector<16xf32>
    %swap3A_340 = arith.constant 64 : index
    %swap3A_341 = tpu.vector_load %arg7[%swap3A_340] {strides = array<i32>} : memref<512xf32, #tpu.memory_space<vmem>>, vector<16xf32>,
    %swap3A_342 = vector.shape_cast %swap3A_341 : vector<16xf32> to vector<16xf32>
    %swap3A_343 = vector.shape_cast %div3A_339 : vector<16xf32> to vector<16xf32>
    tpu.vector_store %arg7[%swap3A_340], %swap3A_343 {strides = array<i32>} : memref<512xf32, #tpu.memory_space<vmem>>, vector<16xf32>,
    %get3A_344 = arith.constant 80 : index
    %get3A_345 = tpu.vector_load %arg7[%get3A_344] {strides = array<i32>} : memref<512xf32, #tpu.memory_space<vmem>>, vector<16xf32>,
    %get3A_346 = vector.shape_cast %get3A_345 : vector<16xf32> to vector<16xf32>
    %neg3A_347 = arith.constant 0.000000e+00 : f32
    %neg3A_348 = vector.broadcast %neg3A_347 : f32 to vector<16xf32>
    %neg3A_349 = arith.subf %neg3A_348, %get3A_346 : vector<16xf32>
    %exp3A_350 = math.exp %neg3A_349 : vector<16xf32>
    %add3A_351 = arith.constant 1.000000e+00 : f32
    %add3A_352 = vector.broadcast %add3A_351 : f32 to vector<16xf32>
    %add3A_353 = arith.addf %add3A_352, %exp3A_350 : vector<16xf32>
    %div3A_354 = arith.constant 1.000000e+00 : f32
    %div3A_355 = vector.broadcast %div3A_354 : f32 to vector<16xf32>
    %div3A_356 = arith.divf %div3A_355, %add3A_353 : vector<16xf32>
    %swap3A_357 = arith.constant 80 : index
    %swap3A_358 = tpu.vector_load %arg7[%swap3A_357] {strides = array<i32>} : memref<512xf32, #tpu.memory_space<vmem>>, vector<16xf32>,
    %swap3A_359 = vector.shape_cast %swap3A_358 : vector<16xf32> to vector<16xf32>
    %swap3A_360 = vector.shape_cast %div3A_356 : vector<16xf32> to vector<16xf32>
    tpu.vector_store %arg7[%swap3A_357], %swap3A_360 {strides = array<i32>} : memref<512xf32, #tpu.memory_space<vmem>>, vector<16xf32>,
    %get3A_361 = arith.constant 96 : index
    %get3A_362 = tpu.vector_load %arg7[%get3A_361] {strides = array<i32>} : memref<512xf32, #tpu.memory_space<vmem>>, vector<16xf32>,
    %get3A_363 = vector.shape_cast %get3A_362 : vector<16xf32> to vector<16xf32>
    %neg3A_364 = arith.constant 0.000000e+00 : f32
    %neg3A_365 = vector.broadcast %neg3A_364 : f32 to vector<16xf32>
    %neg3A_366 = arith.subf %neg3A_365, %get3A_363 : vector<16xf32>
    %exp3A_367 = math.exp %neg3A_366 : vector<16xf32>
    %add3A_368 = arith.constant 1.000000e+00 : f32
    %add3A_369 = vector.broadcast %add3A_368 : f32 to vector<16xf32>
    %add3A_370 = arith.addf %add3A_369, %exp3A_367 : vector<16xf32>
    %div3A_371 = arith.constant 1.000000e+00 : f32
    %div3A_372 = vector.broadcast %div3A_371 : f32 to vector<16xf32>
    %div3A_373 = arith.divf %div3A_372, %add3A_370 : vector<16xf32>
    %swap3A_374 = arith.constant 96 : index
    %swap3A_375 = tpu.vector_load %arg7[%swap3A_374] {strides = array<i32>} : memref<512xf32, #tpu.memory_space<vmem>>, vector<16xf32>,
    %swap3A_376 = vector.shape_cast %swap3A_375 : vector<16xf32> to vector<16xf32>
    %swap3A_377 = vector.shape_cast %div3A_373 : vector<16xf32> to vector<16xf32>
    tpu.vector_store %arg7[%swap3A_374], %swap3A_377 {strides = array<i32>} : memref<512xf32, #tpu.memory_space<vmem>>, vector<16xf32>,
    %get3A_378 = arith.constant 112 : index
    %get3A_379 = tpu.vector_load %arg7[%get3A_378] {strides = array<i32>} : memref<512xf32, #tpu.memory_space<vmem>>, vector<16xf32>,
    %get3A_380 = vector.shape_cast %get3A_379 : vector<16xf32> to vector<16xf32>
    %neg3A_381 = arith.constant 0.000000e+00 : f32
    %neg3A_382 = vector.broadcast %neg3A_381 : f32 to vector<16xf32>
    %neg3A_383 = arith.subf %neg3A_382, %get3A_380 : vector<16xf32>
    %exp3A_384 = math.exp %neg3A_383 : vector<16xf32>
    %add3A_385 = arith.constant 1.000000e+00 : f32
    %add3A_386 = vector.broadcast %add3A_385 : f32 to vector<16xf32>
    %add3A_387 = arith.addf %add3A_386, %exp3A_384 : vector<16xf32>
    %div3A_388 = arith.constant 1.000000e+00 : f32
    %div3A_389 = vector.broadcast %div3A_388 : f32 to vector<16xf32>
    %div3A_390 = arith.divf %div3A_389, %add3A_387 : vector<16xf32>
    %swap3A_391 = arith.constant 112 : index
    %swap3A_392 = tpu.vector_load %arg7[%swap3A_391] {strides = array<i32>} : memref<512xf32, #tpu.memory_space<vmem>>, vector<16xf32>,
    %swap3A_393 = vector.shape_cast %swap3A_392 : vector<16xf32> to vector<16xf32>
    %swap3A_394 = vector.shape_cast %div3A_390 : vector<16xf32> to vector<16xf32>
    tpu.vector_store %arg7[%swap3A_391], %swap3A_394 {strides = array<i32>} : memref<512xf32, #tpu.memory_space<vmem>>, vector<16xf32>,
    %get3A_395 = arith.constant 128 : index
    %get3A_396 = tpu.vector_load %arg7[%get3A_395] {strides = array<i32>} : memref<512xf32, #tpu.memory_space<vmem>>, vector<16xf32>,
    %get3A_397 = vector.shape_cast %get3A_396 : vector<16xf32> to vector<16xf32>
    %neg3A_398 = arith.constant 0.000000e+00 : f32
    %neg3A_399 = vector.broadcast %neg3A_398 : f32 to vector<16xf32>
    %neg3A_400 = arith.subf %neg3A_399, %get3A_397 : vector<16xf32>
    %exp3A_401 = math.exp %neg3A_400 : vector<16xf32>
    %add3A_402 = arith.constant 1.000000e+00 : f32
    %add3A_403 = vector.broadcast %add3A_402 : f32 to vector<16xf32>
    %add3A_404 = arith.addf %add3A_403, %exp3A_401 : vector<16xf32>
    %div3A_405 = arith.constant 1.000000e+00 : f32
    %div3A_406 = vector.broadcast %div3A_405 : f32 to vector<16xf32>
    %div3A_407 = arith.divf %div3A_406, %add3A_404 : vector<16xf32>
    %swap3A_408 = arith.constant 128 : index
    %swap3A_409 = tpu.vector_load %arg7[%swap3A_408] {strides = array<i32>} : memref<512xf32, #tpu.memory_space<vmem>>, vector<16xf32>,
    %swap3A_410 = vector.shape_cast %swap3A_409 : vector<16xf32> to vector<16xf32>
    %swap3A_411 = vector.shape_cast %div3A_407 : vector<16xf32> to vector<16xf32>
    tpu.vector_store %arg7[%swap3A_408], %swap3A_411 {strides = array<i32>} : memref<512xf32, #tpu.memory_space<vmem>>, vector<16xf32>,
    %get3A_412 = arith.constant 144 : index
    %get3A_413 = tpu.vector_load %arg7[%get3A_412] {strides = array<i32>} : memref<512xf32, #tpu.memory_space<vmem>>, vector<16xf32>,
    %get3A_414 = vector.shape_cast %get3A_413 : vector<16xf32> to vector<16xf32>
    %neg3A_415 = arith.constant 0.000000e+00 : f32
    %neg3A_416 = vector.broadcast %neg3A_415 : f32 to vector<16xf32>
    %neg3A_417 = arith.subf %neg3A_416, %get3A_414 : vector<16xf32>
    %exp3A_418 = math.exp %neg3A_417 : vector<16xf32>
    %add3A_419 = arith.constant 1.000000e+00 : f32
    %add3A_420 = vector.broadcast %add3A_419 : f32 to vector<16xf32>
    %add3A_421 = arith.addf %add3A_420, %exp3A_418 : vector<16xf32>
    %div3A_422 = arith.constant 1.000000e+00 : f32
    %div3A_423 = vector.broadcast %div3A_422 : f32 to vector<16xf32>
    %div3A_424 = arith.divf %div3A_423, %add3A_421 : vector<16xf32>
    %swap3A_425 = arith.constant 144 : index
    %swap3A_426 = tpu.vector_load %arg7[%swap3A_425] {strides = array<i32>} : memref<512xf32, #tpu.memory_space<vmem>>, vector<16xf32>,
    %swap3A_427 = vector.shape_cast %swap3A_426 : vector<16xf32> to vector<16xf32>
    %swap3A_428 = vector.shape_cast %div3A_424 : vector<16xf32> to vector<16xf32>
    tpu.vector_store %arg7[%swap3A_425], %swap3A_428 {strides = array<i32>} : memref<512xf32, #tpu.memory_space<vmem>>, vector<16xf32>,
    %get3A_429 = arith.constant 160 : index
    %get3A_430 = tpu.vector_load %arg7[%get3A_429] {strides = array<i32>} : memref<512xf32, #tpu.memory_space<vmem>>, vector<16xf32>,
    %get3A_431 = vector.shape_cast %get3A_430 : vector<16xf32> to vector<16xf32>
    %neg3A_432 = arith.constant 0.000000e+00 : f32
    %neg3A_433 = vector.broadcast %neg3A_432 : f32 to vector<16xf32>
    %neg3A_434 = arith.subf %neg3A_433, %get3A_431 : vector<16xf32>
    %exp3A_435 = math.exp %neg3A_434 : vector<16xf32>
    %add3A_436 = arith.constant 1.000000e+00 : f32
    %add3A_437 = vector.broadcast %add3A_436 : f32 to vector<16xf32>
    %add3A_438 = arith.addf %add3A_437, %exp3A_435 : vector<16xf32>
    %div3A_439 = arith.constant 1.000000e+00 : f32
    %div3A_440 = vector.broadcast %div3A_439 : f32 to vector<16xf32>
    %div3A_441 = arith.divf %div3A_440, %add3A_438 : vector<16xf32>
    %swap3A_442 = arith.constant 160 : index
    %swap3A_443 = tpu.vector_load %arg7[%swap3A_442] {strides = array<i32>} : memref<512xf32, #tpu.memory_space<vmem>>, vector<16xf32>,
    %swap3A_444 = vector.shape_cast %swap3A_443 : vector<16xf32> to vector<16xf32>
    %swap3A_445 = vector.shape_cast %div3A_441 : vector<16xf32> to vector<16xf32>
    tpu.vector_store %arg7[%swap3A_442], %swap3A_445 {strides = array<i32>} : memref<512xf32, #tpu.memory_space<vmem>>, vector<16xf32>,
    %get3A_446 = arith.constant 176 : index
    %get3A_447 = tpu.vector_load %arg7[%get3A_446] {strides = array<i32>} : memref<512xf32, #tpu.memory_space<vmem>>, vector<16xf32>,
    %get3A_448 = vector.shape_cast %get3A_447 : vector<16xf32> to vector<16xf32>
    %neg3A_449 = arith.constant 0.000000e+00 : f32
    %neg3A_450 = vector.broadcast %neg3A_449 : f32 to vector<16xf32>
    %neg3A_451 = arith.subf %neg3A_450, %get3A_448 : vector<16xf32>
    %exp3A_452 = math.exp %neg3A_451 : vector<16xf32>
    %add3A_453 = arith.constant 1.000000e+00 : f32
    %add3A_454 = vector.broadcast %add3A_453 : f32 to vector<16xf32>
    %add3A_455 = arith.addf %add3A_454, %exp3A_452 : vector<16xf32>
    %div3A_456 = arith.constant 1.000000e+00 : f32
    %div3A_457 = vector.broadcast %div3A_456 : f32 to vector<16xf32>
    %div3A_458 = arith.divf %div3A_457, %add3A_455 : vector<16xf32>
    %swap3A_459 = arith.constant 176 : index
    %swap3A_460 = tpu.vector_load %arg7[%swap3A_459] {strides = array<i32>} : memref<512xf32, #tpu.memory_space<vmem>>, vector<16xf32>,
    %swap3A_461 = vector.shape_cast %swap3A_460 : vector<16xf32> to vector<16xf32>
    %swap3A_462 = vector.shape_cast %div3A_458 : vector<16xf32> to vector<16xf32>
    tpu.vector_store %arg7[%swap3A_459], %swap3A_462 {strides = array<i32>} : memref<512xf32, #tpu.memory_space<vmem>>, vector<16xf32>,
    %get3A_463 = arith.constant 192 : index
    %get3A_464 = tpu.vector_load %arg7[%get3A_463] {strides = array<i32>} : memref<512xf32, #tpu.memory_space<vmem>>, vector<16xf32>,
    %get3A_465 = vector.shape_cast %get3A_464 : vector<16xf32> to vector<16xf32>
    %neg3A_466 = arith.constant 0.000000e+00 : f32
    %neg3A_467 = vector.broadcast %neg3A_466 : f32 to vector<16xf32>
    %neg3A_468 = arith.subf %neg3A_467, %get3A_465 : vector<16xf32>
    %exp3A_469 = math.exp %neg3A_468 : vector<16xf32>
    %add3A_470 = arith.constant 1.000000e+00 : f32
    %add3A_471 = vector.broadcast %add3A_470 : f32 to vector<16xf32>
    %add3A_472 = arith.addf %add3A_471, %exp3A_469 : vector<16xf32>
    %div3A_473 = arith.constant 1.000000e+00 : f32
    %div3A_474 = vector.broadcast %div3A_473 : f32 to vector<16xf32>
    %div3A_475 = arith.divf %div3A_474, %add3A_472 : vector<16xf32>
    %swap3A_476 = arith.constant 192 : index
    %swap3A_477 = tpu.vector_load %arg7[%swap3A_476] {strides = array<i32>} : memref<512xf32, #tpu.memory_space<vmem>>, vector<16xf32>,
    %swap3A_478 = vector.shape_cast %swap3A_477 : vector<16xf32> to vector<16xf32>
    %swap3A_479 = vector.shape_cast %div3A_475 : vector<16xf32> to vector<16xf32>
    tpu.vector_store %arg7[%swap3A_476], %swap3A_479 {strides = array<i32>} : memref<512xf32, #tpu.memory_space<vmem>>, vector<16xf32>,
    %get3A_480 = arith.constant 208 : index
    %get3A_481 = tpu.vector_load %arg7[%get3A_480] {strides = array<i32>} : memref<512xf32, #tpu.memory_space<vmem>>, vector<16xf32>,
    %get3A_482 = vector.shape_cast %get3A_481 : vector<16xf32> to vector<16xf32>
    %neg3A_483 = arith.constant 0.000000e+00 : f32
    %neg3A_484 = vector.broadcast %neg3A_483 : f32 to vector<16xf32>
    %neg3A_485 = arith.subf %neg3A_484, %get3A_482 : vector<16xf32>
    %exp3A_486 = math.exp %neg3A_485 : vector<16xf32>
    %add3A_487 = arith.constant 1.000000e+00 : f32
    %add3A_488 = vector.broadcast %add3A_487 : f32 to vector<16xf32>
    %add3A_489 = arith.addf %add3A_488, %exp3A_486 : vector<16xf32>
    %div3A_490 = arith.constant 1.000000e+00 : f32
    %div3A_491 = vector.broadcast %div3A_490 : f32 to vector<16xf32>
    %div3A_492 = arith.divf %div3A_491, %add3A_489 : vector<16xf32>
    %swap3A_493 = arith.constant 208 : index
    %swap3A_494 = tpu.vector_load %arg7[%swap3A_493] {strides = array<i32>} : memref<512xf32, #tpu.memory_space<vmem>>, vector<16xf32>,
    %swap3A_495 = vector.shape_cast %swap3A_494 : vector<16xf32> to vector<16xf32>
    %swap3A_496 = vector.shape_cast %div3A_492 : vector<16xf32> to vector<16xf32>
    tpu.vector_store %arg7[%swap3A_493], %swap3A_496 {strides = array<i32>} : memref<512xf32, #tpu.memory_space<vmem>>, vector<16xf32>,
    %get3A_497 = arith.constant 224 : index
    %get3A_498 = tpu.vector_load %arg7[%get3A_497] {strides = array<i32>} : memref<512xf32, #tpu.memory_space<vmem>>, vector<16xf32>,
    %get3A_499 = vector.shape_cast %get3A_498 : vector<16xf32> to vector<16xf32>
    %neg3A_500 = arith.constant 0.000000e+00 : f32
    %neg3A_501 = vector.broadcast %neg3A_500 : f32 to vector<16xf32>
    %neg3A_502 = arith.subf %neg3A_501, %get3A_499 : vector<16xf32>
    %exp3A_503 = math.exp %neg3A_502 : vector<16xf32>
    %add3A_504 = arith.constant 1.000000e+00 : f32
    %add3A_505 = vector.broadcast %add3A_504 : f32 to vector<16xf32>
    %add3A_506 = arith.addf %add3A_505, %exp3A_503 : vector<16xf32>
    %div3A_507 = arith.constant 1.000000e+00 : f32
    %div3A_508 = vector.broadcast %div3A_507 : f32 to vector<16xf32>
    %div3A_509 = arith.divf %div3A_508, %add3A_506 : vector<16xf32>
    %swap3A_510 = arith.constant 224 : index
    %swap3A_511 = tpu.vector_load %arg7[%swap3A_510] {strides = array<i32>} : memref<512xf32, #tpu.memory_space<vmem>>, vector<16xf32>,
    %swap3A_512 = vector.shape_cast %swap3A_511 : vector<16xf32> to vector<16xf32>
    %swap3A_513 = vector.shape_cast %div3A_509 : vector<16xf32> to vector<16xf32>
    tpu.vector_store %arg7[%swap3A_510], %swap3A_513 {strides = array<i32>} : memref<512xf32, #tpu.memory_space<vmem>>, vector<16xf32>,
    %get3A_514 = arith.constant 240 : index
    %get3A_515 = tpu.vector_load %arg7[%get3A_514] {strides = array<i32>} : memref<512xf32, #tpu.memory_space<vmem>>, vector<16xf32>,
    %get3A_516 = vector.shape_cast %get3A_515 : vector<16xf32> to vector<16xf32>
    %neg3A_517 = arith.constant 0.000000e+00 : f32
    %neg3A_518 = vector.broadcast %neg3A_517 : f32 to vector<16xf32>
    %neg3A_519 = arith.subf %neg3A_518, %get3A_516 : vector<16xf32>
    %exp3A_520 = math.exp %neg3A_519 : vector<16xf32>
    %add3A_521 = arith.constant 1.000000e+00 : f32
    %add3A_522 = vector.broadcast %add3A_521 : f32 to vector<16xf32>
    %add3A_523 = arith.addf %add3A_522, %exp3A_520 : vector<16xf32>
    %div3A_524 = arith.constant 1.000000e+00 : f32
    %div3A_525 = vector.broadcast %div3A_524 : f32 to vector<16xf32>
    %div3A_526 = arith.divf %div3A_525, %add3A_523 : vector<16xf32>
    %swap3A_527 = arith.constant 240 : index
    %swap3A_528 = tpu.vector_load %arg7[%swap3A_527] {strides = array<i32>} : memref<512xf32, #tpu.memory_space<vmem>>, vector<16xf32>,
    %swap3A_529 = vector.shape_cast %swap3A_528 : vector<16xf32> to vector<16xf32>
    %swap3A_530 = vector.shape_cast %div3A_526 : vector<16xf32> to vector<16xf32>
    tpu.vector_store %arg7[%swap3A_527], %swap3A_530 {strides = array<i32>} : memref<512xf32, #tpu.memory_space<vmem>>, vector<16xf32>,
    %get3A_531 = arith.constant 256 : index
    %get3A_532 = tpu.vector_load %arg7[%get3A_531] {strides = array<i32>} : memref<512xf32, #tpu.memory_space<vmem>>, vector<16xf32>,
    %get3A_533 = vector.shape_cast %get3A_532 : vector<16xf32> to vector<16xf32>
    %neg3A_534 = arith.constant 0.000000e+00 : f32
    %neg3A_535 = vector.broadcast %neg3A_534 : f32 to vector<16xf32>
    %neg3A_536 = arith.subf %neg3A_535, %get3A_533 : vector<16xf32>
    %exp3A_537 = math.exp %neg3A_536 : vector<16xf32>
    %add3A_538 = arith.constant 1.000000e+00 : f32
    %add3A_539 = vector.broadcast %add3A_538 : f32 to vector<16xf32>
    %add3A_540 = arith.addf %add3A_539, %exp3A_537 : vector<16xf32>
    %div3A_541 = arith.constant 1.000000e+00 : f32
    %div3A_542 = vector.broadcast %div3A_541 : f32 to vector<16xf32>
    %div3A_543 = arith.divf %div3A_542, %add3A_540 : vector<16xf32>
    %swap3A_544 = arith.constant 256 : index
    %swap3A_545 = tpu.vector_load %arg7[%swap3A_544] {strides = array<i32>} : memref<512xf32, #tpu.memory_space<vmem>>, vector<16xf32>,
    %swap3A_546 = vector.shape_cast %swap3A_545 : vector<16xf32> to vector<16xf32>
    %swap3A_547 = vector.shape_cast %div3A_543 : vector<16xf32> to vector<16xf32>
    tpu.vector_store %arg7[%swap3A_544], %swap3A_547 {strides = array<i32>} : memref<512xf32, #tpu.memory_space<vmem>>, vector<16xf32>,
    %get3A_548 = arith.constant 272 : index
    %get3A_549 = tpu.vector_load %arg7[%get3A_548] {strides = array<i32>} : memref<512xf32, #tpu.memory_space<vmem>>, vector<16xf32>,
    %get3A_550 = vector.shape_cast %get3A_549 : vector<16xf32> to vector<16xf32>
    %neg3A_551 = arith.constant 0.000000e+00 : f32
    %neg3A_552 = vector.broadcast %neg3A_551 : f32 to vector<16xf32>
    %neg3A_553 = arith.subf %neg3A_552, %get3A_550 : vector<16xf32>
    %exp3A_554 = math.exp %neg3A_553 : vector<16xf32>
    %add3A_555 = arith.constant 1.000000e+00 : f32
    %add3A_556 = vector.broadcast %add3A_555 : f32 to vector<16xf32>
    %add3A_557 = arith.addf %add3A_556, %exp3A_554 : vector<16xf32>
    %div3A_558 = arith.constant 1.000000e+00 : f32
    %div3A_559 = vector.broadcast %div3A_558 : f32 to vector<16xf32>
    %div3A_560 = arith.divf %div3A_559, %add3A_557 : vector<16xf32>
    %swap3A_561 = arith.constant 272 : index
    %swap3A_562 = tpu.vector_load %arg7[%swap3A_561] {strides = array<i32>} : memref<512xf32, #tpu.memory_space<vmem>>, vector<16xf32>,
    %swap3A_563 = vector.shape_cast %swap3A_562 : vector<16xf32> to vector<16xf32>
    %swap3A_564 = vector.shape_cast %div3A_560 : vector<16xf32> to vector<16xf32>
    tpu.vector_store %arg7[%swap3A_561], %swap3A_564 {strides = array<i32>} : memref<512xf32, #tpu.memory_space<vmem>>, vector<16xf32>,
    %get3A_565 = arith.constant 288 : index
    %get3A_566 = tpu.vector_load %arg7[%get3A_565] {strides = array<i32>} : memref<512xf32, #tpu.memory_space<vmem>>, vector<16xf32>,
    %get3A_567 = vector.shape_cast %get3A_566 : vector<16xf32> to vector<16xf32>
    %neg3A_568 = arith.constant 0.000000e+00 : f32
    %neg3A_569 = vector.broadcast %neg3A_568 : f32 to vector<16xf32>
    %neg3A_570 = arith.subf %neg3A_569, %get3A_567 : vector<16xf32>
    %exp3A_571 = math.exp %neg3A_570 : vector<16xf32>
    %add3A_572 = arith.constant 1.000000e+00 : f32
    %add3A_573 = vector.broadcast %add3A_572 : f32 to vector<16xf32>
    %add3A_574 = arith.addf %add3A_573, %exp3A_571 : vector<16xf32>
    %div3A_575 = arith.constant 1.000000e+00 : f32
    %div3A_576 = vector.broadcast %div3A_575 : f32 to vector<16xf32>
    %div3A_577 = arith.divf %div3A_576, %add3A_574 : vector<16xf32>
    %swap3A_578 = arith.constant 288 : index
    %swap3A_579 = tpu.vector_load %arg7[%swap3A_578] {strides = array<i32>} : memref<512xf32, #tpu.memory_space<vmem>>, vector<16xf32>,
    %swap3A_580 = vector.shape_cast %swap3A_579 : vector<16xf32> to vector<16xf32>
    %swap3A_581 = vector.shape_cast %div3A_577 : vector<16xf32> to vector<16xf32>
    tpu.vector_store %arg7[%swap3A_578], %swap3A_581 {strides = array<i32>} : memref<512xf32, #tpu.memory_space<vmem>>, vector<16xf32>,
    %get3A_582 = arith.constant 304 : index
    %get3A_583 = tpu.vector_load %arg7[%get3A_582] {strides = array<i32>} : memref<512xf32, #tpu.memory_space<vmem>>, vector<16xf32>,
    %get3A_584 = vector.shape_cast %get3A_583 : vector<16xf32> to vector<16xf32>
    %neg3A_585 = arith.constant 0.000000e+00 : f32
    %neg3A_586 = vector.broadcast %neg3A_585 : f32 to vector<16xf32>
    %neg3A_587 = arith.subf %neg3A_586, %get3A_584 : vector<16xf32>
    %exp3A_588 = math.exp %neg3A_587 : vector<16xf32>
    %add3A_589 = arith.constant 1.000000e+00 : f32
    %add3A_590 = vector.broadcast %add3A_589 : f32 to vector<16xf32>
    %add3A_591 = arith.addf %add3A_590, %exp3A_588 : vector<16xf32>
    %div3A_592 = arith.constant 1.000000e+00 : f32
    %div3A_593 = vector.broadcast %div3A_592 : f32 to vector<16xf32>
    %div3A_594 = arith.divf %div3A_593, %add3A_591 : vector<16xf32>
    %swap3A_595 = arith.constant 304 : index
    %swap3A_596 = tpu.vector_load %arg7[%swap3A_595] {strides = array<i32>} : memref<512xf32, #tpu.memory_space<vmem>>, vector<16xf32>,
    %swap3A_597 = vector.shape_cast %swap3A_596 : vector<16xf32> to vector<16xf32>
    %swap3A_598 = vector.shape_cast %div3A_594 : vector<16xf32> to vector<16xf32>
    tpu.vector_store %arg7[%swap3A_595], %swap3A_598 {strides = array<i32>} : memref<512xf32, #tpu.memory_space<vmem>>, vector<16xf32>,
    %get3A_599 = arith.constant 320 : index
    %get3A_600 = tpu.vector_load %arg7[%get3A_599] {strides = array<i32>} : memref<512xf32, #tpu.memory_space<vmem>>, vector<16xf32>,
    %get3A_601 = vector.shape_cast %get3A_600 : vector<16xf32> to vector<16xf32>
    %neg3A_602 = arith.constant 0.000000e+00 : f32
    %neg3A_603 = vector.broadcast %neg3A_602 : f32 to vector<16xf32>
    %neg3A_604 = arith.subf %neg3A_603, %get3A_601 : vector<16xf32>
    %exp3A_605 = math.exp %neg3A_604 : vector<16xf32>
    %add3A_606 = arith.constant 1.000000e+00 : f32
    %add3A_607 = vector.broadcast %add3A_606 : f32 to vector<16xf32>
    %add3A_608 = arith.addf %add3A_607, %exp3A_605 : vector<16xf32>
    %div3A_609 = arith.constant 1.000000e+00 : f32
    %div3A_610 = vector.broadcast %div3A_609 : f32 to vector<16xf32>
    %div3A_611 = arith.divf %div3A_610, %add3A_608 : vector<16xf32>
    %swap3A_612 = arith.constant 320 : index
    %swap3A_613 = tpu.vector_load %arg7[%swap3A_612] {strides = array<i32>} : memref<512xf32, #tpu.memory_space<vmem>>, vector<16xf32>,
    %swap3A_614 = vector.shape_cast %swap3A_613 : vector<16xf32> to vector<16xf32>
    %swap3A_615 = vector.shape_cast %div3A_611 : vector<16xf32> to vector<16xf32>
    tpu.vector_store %arg7[%swap3A_612], %swap3A_615 {strides = array<i32>} : memref<512xf32, #tpu.memory_space<vmem>>, vector<16xf32>,
    %get3A_616 = arith.constant 336 : index
    %get3A_617 = tpu.vector_load %arg7[%get3A_616] {strides = array<i32>} : memref<512xf32, #tpu.memory_space<vmem>>, vector<16xf32>,
    %get3A_618 = vector.shape_cast %get3A_617 : vector<16xf32> to vector<16xf32>
    %neg3A_619 = arith.constant 0.000000e+00 : f32
    %neg3A_620 = vector.broadcast %neg3A_619 : f32 to vector<16xf32>
    %neg3A_621 = arith.subf %neg3A_620, %get3A_618 : vector<16xf32>
    %exp3A_622 = math.exp %neg3A_621 : vector<16xf32>
    %add3A_623 = arith.constant 1.000000e+00 : f32
    %add3A_624 = vector.broadcast %add3A_623 : f32 to vector<16xf32>
    %add3A_625 = arith.addf %add3A_624, %exp3A_622 : vector<16xf32>
    %div3A_626 = arith.constant 1.000000e+00 : f32
    %div3A_627 = vector.broadcast %div3A_626 : f32 to vector<16xf32>
    %div3A_628 = arith.divf %div3A_627, %add3A_625 : vector<16xf32>
    %swap3A_629 = arith.constant 336 : index
    %swap3A_630 = tpu.vector_load %arg7[%swap3A_629] {strides = array<i32>} : memref<512xf32, #tpu.memory_space<vmem>>, vector<16xf32>,
    %swap3A_631 = vector.shape_cast %swap3A_630 : vector<16xf32> to vector<16xf32>
    %swap3A_632 = vector.shape_cast %div3A_628 : vector<16xf32> to vector<16xf32>
    tpu.vector_store %arg7[%swap3A_629], %swap3A_632 {strides = array<i32>} : memref<512xf32, #tpu.memory_space<vmem>>, vector<16xf32>,
    %get3A_633 = arith.constant 352 : index
    %get3A_634 = tpu.vector_load %arg7[%get3A_633] {strides = array<i32>} : memref<512xf32, #tpu.memory_space<vmem>>, vector<16xf32>,
    %get3A_635 = vector.shape_cast %get3A_634 : vector<16xf32> to vector<16xf32>
    %neg3A_636 = arith.constant 0.000000e+00 : f32
    %neg3A_637 = vector.broadcast %neg3A_636 : f32 to vector<16xf32>
    %neg3A_638 = arith.subf %neg3A_637, %get3A_635 : vector<16xf32>
    %exp3A_639 = math.exp %neg3A_638 : vector<16xf32>
    %add3A_640 = arith.constant 1.000000e+00 : f32
    %add3A_641 = vector.broadcast %add3A_640 : f32 to vector<16xf32>
    %add3A_642 = arith.addf %add3A_641, %exp3A_639 : vector<16xf32>
    %div3A_643 = arith.constant 1.000000e+00 : f32
    %div3A_644 = vector.broadcast %div3A_643 : f32 to vector<16xf32>
    %div3A_645 = arith.divf %div3A_644, %add3A_642 : vector<16xf32>
    %swap3A_646 = arith.constant 352 : index
    %swap3A_647 = tpu.vector_load %arg7[%swap3A_646] {strides = array<i32>} : memref<512xf32, #tpu.memory_space<vmem>>, vector<16xf32>,
    %swap3A_648 = vector.shape_cast %swap3A_647 : vector<16xf32> to vector<16xf32>
    %swap3A_649 = vector.shape_cast %div3A_645 : vector<16xf32> to vector<16xf32>
    tpu.vector_store %arg7[%swap3A_646], %swap3A_649 {strides = array<i32>} : memref<512xf32, #tpu.memory_space<vmem>>, vector<16xf32>,
    %get3A_650 = arith.constant 368 : index
    %get3A_651 = tpu.vector_load %arg7[%get3A_650] {strides = array<i32>} : memref<512xf32, #tpu.memory_space<vmem>>, vector<16xf32>,
    %get3A_652 = vector.shape_cast %get3A_651 : vector<16xf32> to vector<16xf32>
    %neg3A_653 = arith.constant 0.000000e+00 : f32
    %neg3A_654 = vector.broadcast %neg3A_653 : f32 to vector<16xf32>
    %neg3A_655 = arith.subf %neg3A_654, %get3A_652 : vector<16xf32>
    %exp3A_656 = math.exp %neg3A_655 : vector<16xf32>
    %add3A_657 = arith.constant 1.000000e+00 : f32
    %add3A_658 = vector.broadcast %add3A_657 : f32 to vector<16xf32>
    %add3A_659 = arith.addf %add3A_658, %exp3A_656 : vector<16xf32>
    %div3A_660 = arith.constant 1.000000e+00 : f32
    %div3A_661 = vector.broadcast %div3A_660 : f32 to vector<16xf32>
    %div3A_662 = arith.divf %div3A_661, %add3A_659 : vector<16xf32>
    %swap3A_663 = arith.constant 368 : index
    %swap3A_664 = tpu.vector_load %arg7[%swap3A_663] {strides = array<i32>} : memref<512xf32, #tpu.memory_space<vmem>>, vector<16xf32>,
    %swap3A_665 = vector.shape_cast %swap3A_664 : vector<16xf32> to vector<16xf32>
    %swap3A_666 = vector.shape_cast %div3A_662 : vector<16xf32> to vector<16xf32>
    tpu.vector_store %arg7[%swap3A_663], %swap3A_666 {strides = array<i32>} : memref<512xf32, #tpu.memory_space<vmem>>, vector<16xf32>,
    %get3A_667 = arith.constant 384 : index
    %get3A_668 = tpu.vector_load %arg7[%get3A_667] {strides = array<i32>} : memref<512xf32, #tpu.memory_space<vmem>>, vector<16xf32>,
    %get3A_669 = vector.shape_cast %get3A_668 : vector<16xf32> to vector<16xf32>
    %neg3A_670 = arith.constant 0.000000e+00 : f32
    %neg3A_671 = vector.broadcast %neg3A_670 : f32 to vector<16xf32>
    %neg3A_672 = arith.subf %neg3A_671, %get3A_669 : vector<16xf32>
    %exp3A_673 = math.exp %neg3A_672 : vector<16xf32>
    %add3A_674 = arith.constant 1.000000e+00 : f32
    %add3A_675 = vector.broadcast %add3A_674 : f32 to vector<16xf32>
    %add3A_676 = arith.addf %add3A_675, %exp3A_673 : vector<16xf32>
    %div3A_677 = arith.constant 1.000000e+00 : f32
    %div3A_678 = vector.broadcast %div3A_677 : f32 to vector<16xf32>
    %div3A_679 = arith.divf %div3A_678, %add3A_676 : vector<16xf32>
    %swap3A_680 = arith.constant 384 : index
    %swap3A_681 = tpu.vector_load %arg7[%swap3A_680] {strides = array<i32>} : memref<512xf32, #tpu.memory_space<vmem>>, vector<16xf32>,
    %swap3A_682 = vector.shape_cast %swap3A_681 : vector<16xf32> to vector<16xf32>
    %swap3A_683 = vector.shape_cast %div3A_679 : vector<16xf32> to vector<16xf32>
    tpu.vector_store %arg7[%swap3A_680], %swap3A_683 {strides = array<i32>} : memref<512xf32, #tpu.memory_space<vmem>>, vector<16xf32>,
    %get3A_684 = arith.constant 400 : index
    %get3A_685 = tpu.vector_load %arg7[%get3A_684] {strides = array<i32>} : memref<512xf32, #tpu.memory_space<vmem>>, vector<16xf32>,
    %get3A_686 = vector.shape_cast %get3A_685 : vector<16xf32> to vector<16xf32>
    %neg3A_687 = arith.constant 0.000000e+00 : f32
    %neg3A_688 = vector.broadcast %neg3A_687 : f32 to vector<16xf32>
    %neg3A_689 = arith.subf %neg3A_688, %get3A_686 : vector<16xf32>
    %exp3A_690 = math.exp %neg3A_689 : vector<16xf32>
    %add3A_691 = arith.constant 1.000000e+00 : f32
    %add3A_692 = vector.broadcast %add3A_691 : f32 to vector<16xf32>
    %add3A_693 = arith.addf %add3A_692, %exp3A_690 : vector<16xf32>
    %div3A_694 = arith.constant 1.000000e+00 : f32
    %div3A_695 = vector.broadcast %div3A_694 : f32 to vector<16xf32>
    %div3A_696 = arith.divf %div3A_695, %add3A_693 : vector<16xf32>
    %swap3A_697 = arith.constant 400 : index
    %swap3A_698 = tpu.vector_load %arg7[%swap3A_697] {strides = array<i32>} : memref<512xf32, #tpu.memory_space<vmem>>, vector<16xf32>,
    %swap3A_699 = vector.shape_cast %swap3A_698 : vector<16xf32> to vector<16xf32>
    %swap3A_700 = vector.shape_cast %div3A_696 : vector<16xf32> to vector<16xf32>
    tpu.vector_store %arg7[%swap3A_697], %swap3A_700 {strides = array<i32>} : memref<512xf32, #tpu.memory_space<vmem>>, vector<16xf32>,
    %get3A_701 = arith.constant 416 : index
    %get3A_702 = tpu.vector_load %arg7[%get3A_701] {strides = array<i32>} : memref<512xf32, #tpu.memory_space<vmem>>, vector<16xf32>,
    %get3A_703 = vector.shape_cast %get3A_702 : vector<16xf32> to vector<16xf32>
    %neg3A_704 = arith.constant 0.000000e+00 : f32
    %neg3A_705 = vector.broadcast %neg3A_704 : f32 to vector<16xf32>
    %neg3A_706 = arith.subf %neg3A_705, %get3A_703 : vector<16xf32>
    %exp3A_707 = math.exp %neg3A_706 : vector<16xf32>
    %add3A_708 = arith.constant 1.000000e+00 : f32
    %add3A_709 = vector.broadcast %add3A_708 : f32 to vector<16xf32>
    %add3A_710 = arith.addf %add3A_709, %exp3A_707 : vector<16xf32>
    %div3A_711 = arith.constant 1.000000e+00 : f32
    %div3A_712 = vector.broadcast %div3A_711 : f32 to vector<16xf32>
    %div3A_713 = arith.divf %div3A_712, %add3A_710 : vector<16xf32>
    %swap3A_714 = arith.constant 416 : index
    %swap3A_715 = tpu.vector_load %arg7[%swap3A_714] {strides = array<i32>} : memref<512xf32, #tpu.memory_space<vmem>>, vector<16xf32>,
    %swap3A_716 = vector.shape_cast %swap3A_715 : vector<16xf32> to vector<16xf32>
    %swap3A_717 = vector.shape_cast %div3A_713 : vector<16xf32> to vector<16xf32>
    tpu.vector_store %arg7[%swap3A_714], %swap3A_717 {strides = array<i32>} : memref<512xf32, #tpu.memory_space<vmem>>, vector<16xf32>,
    %get3A_718 = arith.constant 432 : index
    %get3A_719 = tpu.vector_load %arg7[%get3A_718] {strides = array<i32>} : memref<512xf32, #tpu.memory_space<vmem>>, vector<16xf32>,
    %get3A_720 = vector.shape_cast %get3A_719 : vector<16xf32> to vector<16xf32>
    %neg3A_721 = arith.constant 0.000000e+00 : f32
    %neg3A_722 = vector.broadcast %neg3A_721 : f32 to vector<16xf32>
    %neg3A_723 = arith.subf %neg3A_722, %get3A_720 : vector<16xf32>
    %exp3A_724 = math.exp %neg3A_723 : vector<16xf32>
    %add3A_725 = arith.constant 1.000000e+00 : f32
    %add3A_726 = vector.broadcast %add3A_725 : f32 to vector<16xf32>
    %add3A_727 = arith.addf %add3A_726, %exp3A_724 : vector<16xf32>
    %div3A_728 = arith.constant 1.000000e+00 : f32
    %div3A_729 = vector.broadcast %div3A_728 : f32 to vector<16xf32>
    %div3A_730 = arith.divf %div3A_729, %add3A_727 : vector<16xf32>
    %swap3A_731 = arith.constant 432 : index
    %swap3A_732 = tpu.vector_load %arg7[%swap3A_731] {strides = array<i32>} : memref<512xf32, #tpu.memory_space<vmem>>, vector<16xf32>,
    %swap3A_733 = vector.shape_cast %swap3A_732 : vector<16xf32> to vector<16xf32>
    %swap3A_734 = vector.shape_cast %div3A_730 : vector<16xf32> to vector<16xf32>
    tpu.vector_store %arg7[%swap3A_731], %swap3A_734 {strides = array<i32>} : memref<512xf32, #tpu.memory_space<vmem>>, vector<16xf32>,
    %get3A_735 = arith.constant 448 : index
    %get3A_736 = tpu.vector_load %arg7[%get3A_735] {strides = array<i32>} : memref<512xf32, #tpu.memory_space<vmem>>, vector<16xf32>,
    %get3A_737 = vector.shape_cast %get3A_736 : vector<16xf32> to vector<16xf32>
    %neg3A_738 = arith.constant 0.000000e+00 : f32
    %neg3A_739 = vector.broadcast %neg3A_738 : f32 to vector<16xf32>
    %neg3A_740 = arith.subf %neg3A_739, %get3A_737 : vector<16xf32>
    %exp3A_741 = math.exp %neg3A_740 : vector<16xf32>
    %add3A_742 = arith.constant 1.000000e+00 : f32
    %add3A_743 = vector.broadcast %add3A_742 : f32 to vector<16xf32>
    %add3A_744 = arith.addf %add3A_743, %exp3A_741 : vector<16xf32>
    %div3A_745 = arith.constant 1.000000e+00 : f32
    %div3A_746 = vector.broadcast %div3A_745 : f32 to vector<16xf32>
    %div3A_747 = arith.divf %div3A_746, %add3A_744 : vector<16xf32>
    %swap3A_748 = arith.constant 448 : index
    %swap3A_749 = tpu.vector_load %arg7[%swap3A_748] {strides = array<i32>} : memref<512xf32, #tpu.memory_space<vmem>>, vector<16xf32>,
    %swap3A_750 = vector.shape_cast %swap3A_749 : vector<16xf32> to vector<16xf32>
    %swap3A_751 = vector.shape_cast %div3A_747 : vector<16xf32> to vector<16xf32>
    tpu.vector_store %arg7[%swap3A_748], %swap3A_751 {strides = array<i32>} : memref<512xf32, #tpu.memory_space<vmem>>, vector<16xf32>,
    %get3A_752 = arith.constant 464 : index
    %get3A_753 = tpu.vector_load %arg7[%get3A_752] {strides = array<i32>} : memref<512xf32, #tpu.memory_space<vmem>>, vector<16xf32>,
    %get3A_754 = vector.shape_cast %get3A_753 : vector<16xf32> to vector<16xf32>
    %neg3A_755 = arith.constant 0.000000e+00 : f32
    %neg3A_756 = vector.broadcast %neg3A_755 : f32 to vector<16xf32>
    %neg3A_757 = arith.subf %neg3A_756, %get3A_754 : vector<16xf32>
    %exp3A_758 = math.exp %neg3A_757 : vector<16xf32>
    %add3A_759 = arith.constant 1.000000e+00 : f32
    %add3A_760 = vector.broadcast %add3A_759 : f32 to vector<16xf32>
    %add3A_761 = arith.addf %add3A_760, %exp3A_758 : vector<16xf32>
    %div3A_762 = arith.constant 1.000000e+00 : f32
    %div3A_763 = vector.broadcast %div3A_762 : f32 to vector<16xf32>
    %div3A_764 = arith.divf %div3A_763, %add3A_761 : vector<16xf32>
    %swap3A_765 = arith.constant 464 : index
    %swap3A_766 = tpu.vector_load %arg7[%swap3A_765] {strides = array<i32>} : memref<512xf32, #tpu.memory_space<vmem>>, vector<16xf32>,
    %swap3A_767 = vector.shape_cast %swap3A_766 : vector<16xf32> to vector<16xf32>
    %swap3A_768 = vector.shape_cast %div3A_764 : vector<16xf32> to vector<16xf32>
    tpu.vector_store %arg7[%swap3A_765], %swap3A_768 {strides = array<i32>} : memref<512xf32, #tpu.memory_space<vmem>>, vector<16xf32>,
    %get3A_769 = arith.constant 480 : index
    %get3A_770 = tpu.vector_load %arg7[%get3A_769] {strides = array<i32>} : memref<512xf32, #tpu.memory_space<vmem>>, vector<16xf32>,
    %get3A_771 = vector.shape_cast %get3A_770 : vector<16xf32> to vector<16xf32>
    %neg3A_772 = arith.constant 0.000000e+00 : f32
    %neg3A_773 = vector.broadcast %neg3A_772 : f32 to vector<16xf32>
    %neg3A_774 = arith.subf %neg3A_773, %get3A_771 : vector<16xf32>
    %exp3A_775 = math.exp %neg3A_774 : vector<16xf32>
    %add3A_776 = arith.constant 1.000000e+00 : f32
    %add3A_777 = vector.broadcast %add3A_776 : f32 to vector<16xf32>
    %add3A_778 = arith.addf %add3A_777, %exp3A_775 : vector<16xf32>
    %div3A_779 = arith.constant 1.000000e+00 : f32
    %div3A_780 = vector.broadcast %div3A_779 : f32 to vector<16xf32>
    %div3A_781 = arith.divf %div3A_780, %add3A_778 : vector<16xf32>
    %swap3A_782 = arith.constant 480 : index
    %swap3A_783 = tpu.vector_load %arg7[%swap3A_782] {strides = array<i32>} : memref<512xf32, #tpu.memory_space<vmem>>, vector<16xf32>,
    %swap3A_784 = vector.shape_cast %swap3A_783 : vector<16xf32> to vector<16xf32>
    %swap3A_785 = vector.shape_cast %div3A_781 : vector<16xf32> to vector<16xf32>
    tpu.vector_store %arg7[%swap3A_782], %swap3A_785 {strides = array<i32>} : memref<512xf32, #tpu.memory_space<vmem>>, vector<16xf32>,
    %get3A_786 = arith.constant 496 : index
    %get3A_787 = tpu.vector_load %arg7[%get3A_786] {strides = array<i32>} : memref<512xf32, #tpu.memory_space<vmem>>, vector<16xf32>,
    %get3A_788 = vector.shape_cast %get3A_787 : vector<16xf32> to vector<16xf32>
    %neg3A_789 = arith.constant 0.000000e+00 : f32
    %neg3A_790 = vector.broadcast %neg3A_789 : f32 to vector<16xf32>
    %neg3A_791 = arith.subf %neg3A_790, %get3A_788 : vector<16xf32>
    %exp3A_792 = math.exp %neg3A_791 : vector<16xf32>
    %add3A_793 = arith.constant 1.000000e+00 : f32
    %add3A_794 = vector.broadcast %add3A_793 : f32 to vector<16xf32>
    %add3A_795 = arith.addf %add3A_794, %exp3A_792 : vector<16xf32>
    %div3A_796 = arith.constant 1.000000e+00 : f32
    %div3A_797 = vector.broadcast %div3A_796 : f32 to vector<16xf32>
    %div3A_798 = arith.divf %div3A_797, %add3A_795 : vector<16xf32>
    %swap3A_799 = arith.constant 496 : index
    %swap3A_800 = tpu.vector_load %arg7[%swap3A_799] {strides = array<i32>} : memref<512xf32, #tpu.memory_space<vmem>>, vector<16xf32>,
    %swap3A_801 = vector.shape_cast %swap3A_800 : vector<16xf32> to vector<16xf32>
    %swap3A_802 = vector.shape_cast %div3A_798 : vector<16xf32> to vector<16xf32>
    tpu.vector_store %arg7[%swap3A_799], %swap3A_802 {strides = array<i32>} : memref<512xf32, #tpu.memory_space<vmem>>, vector<16xf32>,
    "tpu.region"() ({
      %run_scoped3A = tpu.sem_alloc : memref<!tpu.dma_semaphore, #tpu.memory_space<semaphore_mem>>
      %dma_start3A = tpu.memref_slice %arg4[%mul3A_2] : memref<16384xf32, #tpu.memory_space<hbm>> -> memref<512xf32, #tpu.memory_space<hbm>>
      %dma_start3A_803 = tpu.memref_slice %arg4[%mul3A_2] : memref<16384xf32, #tpu.memory_space<hbm>> -> memref<512xf32, #tpu.memory_space<hbm>>
      tpu.enqueue_dma source(%arg7 : memref<512xf32, #tpu.memory_space<vmem>>) target(%dma_start3A_803 : memref<512xf32, #tpu.memory_space<hbm>>) target_semaphore(%run_scoped3A : memref<!tpu.dma_semaphore, #tpu.memory_space<semaphore_mem>>)
      %dma_wait3A = tpu.memref_slice %arg4[%mul3A_2] : memref<16384xf32, #tpu.memory_space<hbm>> -> memref<512xf32, #tpu.memory_space<hbm>>
      %dma_wait3A_804 = tpu.memref_slice %arg4[%mul3A_2] : memref<16384xf32, #tpu.memory_space<hbm>> -> memref<512xf32, #tpu.memory_space<hbm>>
      tpu.wait_dma2 semaphore(%run_scoped3A : memref<!tpu.dma_semaphore, #tpu.memory_space<semaphore_mem>>) src(%arg7 : memref<512xf32, #tpu.memory_space<vmem>>) dst(%dma_wait3A_804 : memref<512xf32, #tpu.memory_space<hbm>>)
      tpu.yield
    }) : () -> ()
    return
  }
}

</mosaic_0001>

<sc_bundles>
// kernel: kernel.3.cloned.1.call-start
scs
__scs_entry_jumppad:
0x0: {  	(pc) =	sbr.rel $0x88, $3  }
0x1: {  	(tag) =	ssettag $0x0;
	lr =	simm.s32 $0x1  }
0x2: {  	[smem:$0x3F9F] =	sst lr;
	_ =	strace $0xD0000000  }
0x3: {  	_ = 	snop  }
0x4: {  	_ = 	snop  }
0x5: {  	_ = 	snop  }
0x6: {  	_ = 	snop  }
0x7: {  	_ = 	snop  }
__scs_overlays_trampoline_lowered:
0x8: {  	[smem:$0x3FAE] =	sst s0  }
0x9: {  	[smem:$0x3FAF] =	sst s1  }
0xa: {  	[smem:$0x3FB0] =	sst s2  }
0xb: {  	[smem:$0x3FB1] =	sst s3  }
0xc: {  	[smem:$0x3FB2] =	sst s4  }
0xd: {  	[smem:$0x3FB3] =	sst s5  }
0xe: {  	[smem:$0x3FB4] =	sst s6  }
0xf: {  	[smem:$0x3FB5] =	sst s7  }
0x10: {  	[smem:$0x3FB6] =	sst s8  }
0x11: {  	[smem:$0x3FB7] =	sst s9;
	s0 =	simm.s32 @!p0 $0x0  }
0x12: {  	s1 =	sld [smem:$0x3F9D];
	s0 =	simm.s32 @p0 $0x1  }
0x13: {  	[smem:$0x3FB8] =	sst s0;
	s0 =	simm.s32 @!p1 $0x0  }
0x14: {  	s2 =	sld [smem:$0x3F9C];
	s0 =	simm.s32 @p1 $0x1  }
0x15: {  	[smem:$0x3FB9] =	sst s0;
	s0 =	simm.s32 @!p2 $0x0  }
0x16: {  	s3 =	sld [smem:$0x3FDB];
	s0 =	simm.s32 @p2 $0x1  }
0x17: {  	s4 =	simm.s32 $0x1BF5;
	[smem:$0x3FBB] =	sst s0  }
0x18: {  	s0 =	sld [smem:$0x3F9E];
	_ =	swait.ge [sflag:s4], $0x0  }
0x19: {  	s7 =	sld [smem:$0x3F9F]  }
0x1a: {  	s8 =	sadd.s32 $0xFFFFE003, lr  }
0x1b: {  	s9 =	sadd.s32 $0xFFFFFEF7, lr;
	s5 =	simm.s32 $0xFFFFFFFF;
	p2 =	slt.u32 s8, $0xFFFFF086  }
0x1c: {  	p1 =	slt.u32 s9, $0xF7A;
	s5 =	simm.s32 @!p2 $0x0  }
0x1d: {  	s5 =	simm.s32 @p1 $0x1;
	p0 =	seq.s32 s7, s2  }
0x1e: {  	s7 =	smul.u32 @!p0 $0xF7A, s2;
	p2 =	seq.s32 @!p0 s5, $0x0  }
0x1f: {  	s9 =	smul.u32 $0xF7A, s1;
	s8 =	simm.s32 @!p0 $0x1BF5;
	p2 =	por !p2, p0  }
0x20: {  	[sflag:s8] =	ssyncset.s32 @!p0 $0xFFFFF086;
	s6 =	sadd.s32 @!p0 s3, s7;
	s7 =	simm.s32 @!p0 $0x108  }
0x21: {  	s3 =	sadd.s32 s3, s9;
	s6 =	sadd.s32 @!p0 $0x88, s6;
	s7 =	simm.s32 @p2 $0x1082  }
0x22: {  	[simem:s7], [sflag:s8] =	dma.local @!p0 [hbm:s6], $0xF7A  }
0x23: {  	s9 =	sor.u32 $0xD0000000, s2;
	s6 =	simm.s32 $0x108;
	_ =	swait.ge @!p0 [sflag:s8], $0x0  }
0x24: {  	s3 =	sadd.s32 $0x88, s3;
	s6 =	simm.s32 @!p1 $0x1082;
	[sflag:s4] =	ssyncset.s32 $0xFFFFF086  }
0x25: {  	[simem:s6], [sflag:s4] =	dma.local [hbm:s3], $0xF7A  }
0x26: {  	[smem:$0x3F9F] =	sst s1;
	(tag) =	ssettag s2;
	_ =	strace s9  }
0x27: {  	s1 =	sld [smem:$0x3FAF]  }
0x28: {  	s2 =	sld [smem:$0x3FB0]  }
0x29: {  	s4 =	sld [smem:$0x3FB2]  }
0x2a: {  	p0 =	seq.s32 s5, $0x0;
	s5 =	sld [smem:$0x3FB3]  }
0x2b: {  	s6 =	sld [smem:$0x3FB4]  }
0x2c: {  	s7 =	sld [smem:$0x3FB5]  }
0x2d: {  	s3 =	simm.s32 $0x108;
	s8 =	sld [smem:$0x3FB6]  }
0x2e: {  	s3 =	simm.s32 @!p0 $0x1082;
	s9 =	sld [smem:$0x3FB7]  }
0x2f: {  	lr =	sadd.s32 s0, s3;
	s0 =	sld [smem:$0x3FAE]  }
0x30: {  	s3 =	sld [smem:$0x3FB1]  }
0x31: {  	[smem:$0x3FBA] =	sst s10  }
0x32: {  	s10 =	sld [smem:$0x3FB8];
	_ =	sdelay $0x3  }
0x33: {  	p0 =	seq.s32 s10, $0x1;
	s10 =	sld [smem:$0x3FBA];
	_ =	sdelay $0x3  }
0x34: {  	[smem:$0x3FBA] =	sst s10  }
0x35: {  	s10 =	sld [smem:$0x3FB9];
	_ =	sdelay $0x3  }
0x36: {  	p1 =	seq.s32 s10, $0x1;
	s10 =	sld [smem:$0x3FBA];
	_ =	sdelay $0x3  }
0x37: {  	[smem:$0x3FBA] =	sst s10  }
0x38: {  	s10 =	sld [smem:$0x3FBB]  }
0x39: {  	_ = 	snop;
	(pc) =	sbr.ind lr, $3  }
0x3a: {  	_ = 	snop  }
0x3b: {  	_ = 	snop  }
0x3c: {  	p2 =	seq.s32 s10, $0x1;
	s10 =	sld [smem:$0x3FBA]  }
0x3d: {  	_ =	shalt  }
0x3e: {  	_ =	shalt  }
0x3f: {  	_ =	shalt  }
0x40: {  	_ =	shalt  }
0x41: {  	_ =	shalt  }
0x42: {  	_ =	shalt  }
0x43: {  	_ =	shalt  }
0x44: {  	_ =	shalt  }
0x45: {  	_ =	shalt  }
0x46: {  	_ =	shalt  }
0x47: {  	_ =	shalt  }
0x48: {  	_ =	shalt  }
0x49: {  	_ =	shalt  }
0x4a: {  	_ =	shalt  }
0x4b: {  	_ =	shalt  }
0x4c: {  	_ =	shalt  }
0x4d: {  	_ =	shalt  }
0x4e: {  	_ =	shalt  }
0x4f: {  	_ =	shalt  }
0x50: {  	_ =	shalt  }
0x51: {  	_ =	shalt  }
0x52: {  	_ =	shalt  }
0x53: {  	_ =	shalt  }
0x54: {  	_ =	shalt  }
0x55: {  	_ =	shalt  }
0x56: {  	_ =	shalt  }
0x57: {  	_ =	shalt  }
0x58: {  	_ =	shalt  }
0x59: {  	_ =	shalt  }
0x5a: {  	_ =	shalt  }
0x5b: {  	_ =	shalt  }
0x5c: {  	_ =	shalt  }
0x5d: {  	_ =	shalt  }
0x5e: {  	_ =	shalt  }
0x5f: {  	_ =	shalt  }
0x60: {  	_ =	shalt  }
0x61: {  	_ =	shalt  }
0x62: {  	_ =	shalt  }
0x63: {  	_ =	shalt  }
0x64: {  	_ =	shalt  }
0x65: {  	_ =	shalt  }
0x66: {  	_ =	shalt  }
0x67: {  	_ =	shalt  }
0x68: {  	_ =	shalt  }
0x69: {  	_ =	shalt  }
0x6a: {  	_ =	shalt  }
0x6b: {  	_ =	shalt  }
0x6c: {  	_ =	shalt  }
0x6d: {  	_ =	shalt  }
0x6e: {  	_ =	shalt  }
0x6f: {  	_ =	shalt  }
0x70: {  	_ =	shalt  }
0x71: {  	_ =	shalt  }
0x72: {  	_ =	shalt  }
0x73: {  	_ =	shalt  }
0x74: {  	_ =	shalt  }
0x75: {  	_ =	shalt  }
0x76: {  	_ =	shalt  }
0x77: {  	_ =	shalt  }
0x78: {  	_ =	shalt  }
0x79: {  	_ =	shalt  }
0x7a: {  	_ =	shalt  }
0x7b: {  	_ =	shalt  }
0x7c: {  	_ =	shalt  }
0x7d: {  	_ =	shalt  }
0x7e: {  	_ =	shalt  }
0x7f: {  	_ =	shalt  }
0x80: {  	_ =	shalt  }
0x81: {  	_ =	shalt  }
0x82: {  	_ =	shalt  }
0x83: {  	_ =	shalt  }
0x84: {  	_ =	shalt  }
0x85: {  	_ =	shalt  }
0x86: {  	_ =	shalt  }
0x87: {  	_ =	shalt  }
.Lfunc_end0:
.L_simem_size_0:
called_computation_lowered:
.L_overlay_start_0:
0x88: {  	s2 =	sld [smem:$0x3FD9]  }
0x89: {  	s3 =	sld [smem:$0x3FFE];
	_ =	sdelay $0x1  }
0x8a: {  	s1 =	srdreg.scid  }
0x8b: {  	s0 =	sand.u32 $0x1, s1  }
0x8c: {  	s17 =	sshll.u32 s0, $0xA;
	s2 =	sadd.s32 s3, s2  }
0x8d: {  	s2 =	sadd.s32 s2, s17  }
0x8e: {  	[smem:$0x3FC6] =	sst s2  }
0x8f: {  	_ = 	snop  }
0x90: {  	s2 =	sld [smem:$0x3FC8]  }
0x91: {  	s18 =	sld [smem:$0x3FD0];
	(tm) =	ssettm $0x1  }
0x92: {  	s4 =	sld [smem:$0x3FFB];
	_ =	sdelay $0x3  }
0x93: {  	_ =	strace s4  }
0x94: {  	s4 =	sld [smem:$0x3FFC];
	_ =	sdelay $0x3  }
0x95: {  	_ =	strace s4  }
0x96: {  	s4 =	sld [smem:$0x3FFD];
	_ =	sdelay $0x3  }
0x97: {  	_ =	strace s4  }
0x98: {  	_ =	strace $0x8FFFFFFF  }
0x99: {  	s19 =	sld [smem:$0x3FDB];
	_ =	sdelay $0x1  }
0x9a: {  	s5 =	simm.s32 $_scs_section_size  }
0x9b: {  	s6 =	simm.s32 $_size__tile_overlayer_lowered;
	s7 =	simm.s32 $_tile_overlayer_lowered  }
0x9c: {  	s22 =	simm.s32 $0x1BFF;
	s21 =	sshll.u32 s7, $0x1;
	s4 =	sadd.s32 s5, s19  }
0x9d: {  	s8 =	simm.s32 $0x0;
	s20 =	sshll.u32 s6, $0x1;
	s6 =	sadd.s32 s21, s4  }
0x9e: {  	[timem:s8], [sflag:s22] =	dma.local [hbm:s6], s20  }
0x9f: {  	_ =	swait.ge [sflag:s22], s20  }
0xa0: {  	s5 =	ssub.s32 $0x0, s20;
	[sflag:s22] =	ssyncset.done $0x0  }
0xa1: {  	[sflag:s22] =	ssyncadd.s32 s5;
	_ =	sdelay $0x1  }
0xa2: {  	s23 =	simm.s32 $0x1B8B  }
0xa3: {  	_ =	swait.ge [sflag:s23], $0x1  }
0xa4: {  	[sflag:s23] =	ssyncset.done $0x0  }
0xa5: {  	s25 =	simm.s32 $0x1B8E;
	s24 =	sld [smem:$0x3FFE];
	[sflag:s23] =	ssyncadd.s32 $0xFFFFFFFF  }
0xa6: {  	s26 =	simm.s32 $execute0_lowered;
	[smem:$0x3FD2] =	sst s25  }
0xa7: {  	s6 =	sshll.u32 s26, $0x1;
	_ =	strace $0x80000046;
	[dreg:$0x1] =	wrdreg $0xFFFFFFFF  }
0xa8: {  	s28 =	simm.s32 $_size_execute0_lowered;
	s4 =	sadd.s32 s4, s6;
	[dreg:$0x0] =	wrdreg $0x0  }
0xa9: {  	s6 =	sshll.u32 s28, $0x1;
	[dreg:$0x2] =	wrdreg s4  }
0xaa: {  	[dreg:$0x3] =	wrdreg s6  }
0xab: {  	[dreg:$0x4] =	wrdreg $0xC0  }
0xac: {  	_ =	task [dreg:s8], $0x5FFFF  }
0xad: {  	[dreg:$0x1] =	wrdreg $0xFFFFFFFF  }
0xae: {  	[dreg:$0x0] =	wrdreg $0x60  }
0xaf: {  	[dreg:$0x2] =	wrdreg s24  }
0xb0: {  	[dreg:$0x3] =	wrdreg s2  }
0xb1: {  	[dreg:$0x4] =	wrdreg s18  }
0xb2: {  	[dreg:$0x5] =	wrdreg $0x9  }
0xb3: {  	_ =	task.clear_ibuf [dreg:s8], $0x6FFFF;
	_ =	strace $0x90000046  }
0xb4: {  	s29 =	simm.s32 $0x9;
	_ =	strace $0x80000048  }
0xb5: {  	_ =	swait.ge [sflag:s29], $0x1  }
0xb6: {  	[sflag:s29] =	ssyncadd.s32 $0xFFFFFFFF  }
0xb7: {  	_ =	strace $0x90000048  }
0xb8: {  	_ =	sfence  }
0xb9: {  	s30 =	sld [smem:$0x0];
	_ =	sdelay $0x2  }
0xba: {  	s31 =	sshll.u32 s1, $0xD;
	s1 =	sshrl.u32 s1, $0x2  }
0xbb: {  	s3 =	sand.u32 $0x4000, s31;
	s1 =	sadd.s32 s1, s30  }
0xbc: {  	s0 =	sor.u32 s3, s0;
	s1 =	sshll.u32 s1, $0x11  }
0xbd: {  	s0 =	sor.u32 s1, s0  }
0xbe: {  	s0 =	sadd.s32 $0x8F2B, s0  }
0xbf: {  	[sflag:s0] =	ssyncadd.remote.s32 $0x1  }
0xc0: {  	_ =	sfence.sel $0xFFFF  }
0xc1: {  	[dreg:$0x0] =	wrdreg $0xFFFFFFFF;
	(pc) =	sbr.abs _section_cstart, $3  }
0xc2: {  	[dreg:$0x1] =	wrdreg $0xFFFFFFFF  }
0xc3: {  	_ =	task.clear_ibuf [dreg:s8], $0x2FFFF;
	_ =	strace $0x9FFFFFFF  }
0xc4: {  	(tm) =	ssettm $0x7FFFFFFF  }
0xc5: {  	_ =	shalt  }
tec
execute0_lowered:
.L_overlay_start_1:
0x0: {  	(tag) =	ssettag $0x1  }
0x1: {  	s4 =	rddreg [dreg:$0x0]  }
0x2: {  	s2 =	rddreg [dreg:$0x1];
	s0 =	srdreg.scid  }
0x3: {  	s5 =	rddreg [dreg:$0x2];
	s1 =	stileid.u32;
	s3 =	simm.s32 $0x0  }
0x4: {  	s10 =	simm.s32 $0x1;
	s11 =	simm.s32 $0x400;
	s12 =	simm.s32 $0x0  }
0x5: {  	s6 =	sand.u32 $0x1, s0;
	s0 =	rddreg [dreg:$0x3];
	s7 =	sshll.u32 s1, $0xA  }
0x6: {  	[smem:$0x7FF] =	sst s3;
	s8 =	sshll.u32 s6, $0x9;
	s6 =	ssub.s32 $0x2, s6  }
0x7: {  	_ =	strace $0x80000047;
	s7 =	sor.u32 s8, s7;
	s31 =	sshrl.u32 s6, $0x1  }
0x8: {  	s8 =	simm.s32 $0x2;
	s7 =	sshrl.u32 s7, $0x3;
	s6 =	ssub.s32 s6, s31  }
0x9: {  	s9 =	sadd.s32 s7, s4;
	s5 =	sadd.s32 s5, s7;
	s6 =	smax.u32 s6, $0x1  }
0xa: {  	s4 =	sadd.s32 $0x32400, s9;
	s7 =	sadd.s32 $0x400, s9;
	s9 =	simm.s32 $0x200  }
.LBB2_1:
0xb: {  	[tilespmem:s3], [sflag:$0x2] =	stream.linear.gather [hbm4b:s4+s3], $0x200, $0x38;
	[tilespmem:$0x600] =	vst v63  }
0xc: {  	_ =	swait.ge [sflag:s8], $0x200  }
0xd: {  	[sflag:s8] =	ssyncset.done $0x0  }
0xe: {  	[sflag:s8] =	ssyncadd.s32 $0xFFFFFE00  }
0xf: {  	v0 =	vld [tilespmem:$0x0]  }
0x10: {  	v1 =	vld [tilespmem:$0x10]  }
0x11: {  	v2 =	vld [tilespmem:$0x20]  }
0x12: {  	v3 =	vld [tilespmem:$0x30]  }
0x13: {  	v4 =	vld [tilespmem:$0x40]  }
0x14: {  	v5 =	vld [tilespmem:$0x50];
	v0 =	vcvt.s32.f32 v0  }
0x15: {  	v6 =	vld [tilespmem:$0x60];
	v1 =	vcvt.s32.f32 v1  }
0x16: {  	v10 =	vld [tilespmem:$0x70];
	v9 =	vcvt.s32.f32 v2;
	[tilespmem:$0x400] =	vst v0  }
0x17: {  	v12 =	vld [tilespmem:$0x80];
	v11 =	vcvt.s32.f32 v3;
	[tilespmem:$0x410] =	vst v1  }
0x18: {  	v14 =	vld [tilespmem:$0x90];
	v13 =	vcvt.s32.f32 v4;
	[tilespmem:$0x420] =	vst v9  }
0x19: {  	v16 =	vld [tilespmem:$0xA0];
	v15 =	vcvt.s32.f32 v5;
	[tilespmem:$0x430] =	vst v11  }
0x1a: {  	v18 =	vld [tilespmem:$0xB0];
	v17 =	vcvt.s32.f32 v6;
	[tilespmem:$0x440] =	vst v13  }
0x1b: {  	v20 =	vld [tilespmem:$0xC0];
	v19 =	vcvt.s32.f32 v10;
	[tilespmem:$0x450] =	vst v15  }
0x1c: {  	v22 =	vld [tilespmem:$0xD0];
	v21 =	vcvt.s32.f32 v12;
	[tilespmem:$0x460] =	vst v17  }
0x1d: {  	v24 =	vld [tilespmem:$0xE0];
	v23 =	vcvt.s32.f32 v14;
	[tilespmem:$0x470] =	vst v19  }
0x1e: {  	v26 =	vld [tilespmem:$0xF0];
	v25 =	vcvt.s32.f32 v16;
	[tilespmem:$0x480] =	vst v21  }
0x1f: {  	v28 =	vld [tilespmem:$0x100];
	v27 =	vcvt.s32.f32 v18;
	[tilespmem:$0x490] =	vst v23  }
0x20: {  	v30 =	vld [tilespmem:$0x110];
	v29 =	vcvt.s32.f32 v20;
	[tilespmem:$0x4A0] =	vst v25  }
0x21: {  	v32 =	vld [tilespmem:$0x120];
	v31 =	vcvt.s32.f32 v22;
	[tilespmem:$0x4B0] =	vst v27  }
0x22: {  	v34 =	vld [tilespmem:$0x130];
	v33 =	vcvt.s32.f32 v24;
	[tilespmem:$0x4C0] =	vst v29  }
0x23: {  	v36 =	vld [tilespmem:$0x140];
	v35 =	vcvt.s32.f32 v26;
	[tilespmem:$0x4D0] =	vst v31  }
0x24: {  	v38 =	vld [tilespmem:$0x150];
	v37 =	vcvt.s32.f32 v28;
	[tilespmem:$0x4E0] =	vst v33  }
0x25: {  	v40 =	vld [tilespmem:$0x160];
	v39 =	vcvt.s32.f32 v30;
	[tilespmem:$0x4F0] =	vst v35  }
0x26: {  	v42 =	vld [tilespmem:$0x170];
	v41 =	vcvt.s32.f32 v32;
	[tilespmem:$0x500] =	vst v37  }
0x27: {  	v44 =	vld [tilespmem:$0x180];
	v43 =	vcvt.s32.f32 v34;
	[tilespmem:$0x510] =	vst v39  }
0x28: {  	v46 =	vld [tilespmem:$0x190];
	v45 =	vcvt.s32.f32 v36;
	[tilespmem:$0x520] =	vst v41  }
0x29: {  	v48 =	vld [tilespmem:$0x1A0];
	v47 =	vcvt.s32.f32 v38;
	[tilespmem:$0x530] =	vst v43  }
0x2a: {  	v50 =	vld [tilespmem:$0x1B0];
	v49 =	vcvt.s32.f32 v40;
	[tilespmem:$0x540] =	vst v45  }
0x2b: {  	v52 =	vld [tilespmem:$0x1C0];
	v51 =	vcvt.s32.f32 v42;
	[tilespmem:$0x550] =	vst v47  }
0x2c: {  	v54 =	vld [tilespmem:$0x1D0];
	v53 =	vcvt.s32.f32 v44;
	[tilespmem:$0x560] =	vst v49  }
0x2d: {  	v56 =	vld [tilespmem:$0x1E0];
	v55 =	vcvt.s32.f32 v46;
	[tilespmem:$0x570] =	vst v51  }
0x2e: {  	v58 =	vld [tilespmem:$0x1F0];
	v57 =	vcvt.s32.f32 v48;
	[tilespmem:$0x580] =	vst v53  }
0x2f: {  	v59 =	vcvt.s32.f32 v50;
	[tilespmem:$0x590] =	vst v55  }
0x30: {  	v60 =	vcvt.s32.f32 v52;
	[tilespmem:$0x5A0] =	vst v57  }
0x31: {  	v61 =	vcvt.s32.f32 v54;
	[tilespmem:$0x5B0] =	vst v59  }
0x32: {  	v62 =	vcvt.s32.f32 v56;
	[tilespmem:$0x5C0] =	vst v60  }
0x33: {  	v63 =	vcvt.s32.f32 v58;
	[tilespmem:$0x5D0] =	vst v61  }
0x34: {  	[tilespmem:$0x5E0] =	vst v62  }
0x35: {  	s13 =	simm.s32 $0x0;
	[tilespmem:$0x5F0] =	vst v63  }
.LBB2_2:
0x36: {  	s14 =	sadd.s32 s13, s7  }
0x37: {  	[tilespmem:s3], [sflag:$0x2] =	stream.linear.gather [hbm4b:s14+s3], $0x200, $0x38;
	[tilespmem:$0x600] =	vst v63  }
0x38: {  	_ =	swait.ge [sflag:s8], $0x200  }
0x39: {  	[sflag:s8] =	ssyncset.done $0x0  }
0x3a: {  	[sflag:s8] =	ssyncadd.s32 $0xFFFFFE00  }
0x3b: {  	[tilespmem:s9], [sflag:$0x1] =	stream.indirect.gather [hbm4b:s2+s9], $0x1, s3, s9, $0xb8;
	[tilespmem:$0x600] =	vst v63  }
0x3c: {  	_ =	swait.ge [sflag:s10], $0x200  }
0x3d: {  	[sflag:s10] =	ssyncset.done $0x0  }
0x3e: {  	[sflag:s10] =	ssyncadd.s32 $0xFFFFFE00  }
0x3f: {  	v0 =	vld [tilespmem:$0x400]  }
0x40: {  	v1 =	vld [tilespmem:$0x200]  }
0x41: {  	v2 =	vld [tilespmem:$0x410]  }
0x42: {  	v3 =	vld [tilespmem:$0x210]  }
0x43: {  	v4 =	vld [tilespmem:$0x420]  }
0x44: {  	v5 =	vld [tilespmem:$0x220]  }
0x45: {  	v6 =	vld [tilespmem:$0x430]  }
0x46: {  	v7 =	vld [tilespmem:$0x230]  }
0x47: {  	v8 =	vld [tilespmem:$0x440]  }
0x48: {  	v9 =	vld [tilespmem:$0x240]  }
0x49: {  	v10 =	vld [tilespmem:$0x450]  }
0x4a: {  	v11 =	vld [tilespmem:$0x250]  }
0x4b: {  	v12 =	vld [tilespmem:$0x460]  }
0x4c: {  	v13 =	vld [tilespmem:$0x260]  }
0x4d: {  	v14 =	vld [tilespmem:$0x470]  }
0x4e: {  	v15 =	vld [tilespmem:$0x270]  }
0x4f: {  	v16 =	vld [tilespmem:$0x480]  }
0x50: {  	v17 =	vld [tilespmem:$0x280]  }
0x51: {  	v18 =	vld [tilespmem:$0x490]  }
0x52: {  	v19 =	vld [tilespmem:$0x290]  }
0x53: {  	v20 =	vld [tilespmem:$0x4A0]  }
0x54: {  	v21 =	vld [tilespmem:$0x2A0]  }
0x55: {  	v22 =	vld [tilespmem:$0x4B0]  }
0x56: {  	v23 =	vld [tilespmem:$0x2B0]  }
0x57: {  	v24 =	vld [tilespmem:$0x4C0]  }
0x58: {  	v25 =	vld [tilespmem:$0x2C0]  }
0x59: {  	v26 =	vld [tilespmem:$0x4D0]  }
0x5a: {  	v29 =	vld [tilespmem:$0x500]  }
0x5b: {  	v30 =	vld [tilespmem:$0x300]  }
0x5c: {  	v31 =	vld [tilespmem:$0x510]  }
0x5d: {  	v32 =	vld [tilespmem:$0x310]  }
0x5e: {  	v33 =	vld [tilespmem:$0x520]  }
0x5f: {  	v34 =	vld [tilespmem:$0x320]  }
0x60: {  	v35 =	vld [tilespmem:$0x530]  }
0x61: {  	v36 =	vld [tilespmem:$0x330]  }
0x62: {  	v63 =	vld [tilespmem:$0x540]  }
0x63: {  	v37 =	vld [tilespmem:$0x340]  }
0x64: {  	v49 =	vld [tilespmem:$0x5A0];
	v0 =	vadd.f32 v1, v0  }
0x65: {  	v51 =	vld [tilespmem:$0x3A0];
	v2 =	vadd.f32 v3, v2  }
0x66: {  	v56 =	vld [tilespmem:$0x5D0];
	v38 =	vadd.f32 v5, v4;
	[tilespmem:$0x400] =	vst v0  }
0x67: {  	v57 =	vld [tilespmem:$0x3D0];
	v39 =	vadd.f32 v7, v6;
	[tilespmem:$0x410] =	vst v2  }
0x68: {  	v59 =	vld [tilespmem:$0x4F0];
	v40 =	vadd.f32 v9, v8;
	[tilespmem:$0x420] =	vst v38  }
0x69: {  	v60 =	vld [tilespmem:$0x2F0];
	v41 =	vadd.f32 v11, v10;
	[tilespmem:$0x430] =	vst v39  }
0x6a: {  	v4 =	vld [tilespmem:$0x550];
	v42 =	vadd.f32 v13, v12;
	[tilespmem:$0x440] =	vst v40  }
0x6b: {  	v5 =	vld [tilespmem:$0x350];
	v43 =	vadd.f32 v15, v14;
	[tilespmem:$0x450] =	vst v41  }
0x6c: {  	v6 =	vld [tilespmem:$0x560];
	v44 =	vadd.f32 v30, v29;
	[tilespmem:$0x460] =	vst v42  }
0x6d: {  	v7 =	vld [tilespmem:$0x360];
	v45 =	vadd.f32 v32, v31;
	[tilespmem:$0x470] =	vst v43  }
0x6e: {  	v8 =	vld [tilespmem:$0x570];
	v46 =	vadd.f32 v34, v33;
	[tilespmem:$0x500] =	vst v44  }
0x6f: {  	v9 =	vld [tilespmem:$0x370];
	v47 =	vadd.f32 v36, v35;
	[tilespmem:$0x510] =	vst v45  }
0x70: {  	v10 =	vld [tilespmem:$0x580];
	v48 =	vadd.f32 v37, v63;
	[tilespmem:$0x520] =	vst v46  }
0x71: {  	v11 =	vld [tilespmem:$0x380];
	v1 =	vadd.f32 v51, v49;
	[tilespmem:$0x530] =	vst v47  }
0x72: {  	v12 =	vld [tilespmem:$0x590];
	v14 =	vadd.f32 v60, v59;
	[tilespmem:$0x540] =	vst v48  }
0x73: {  	v13 =	vld [tilespmem:$0x390];
	[tilespmem:$0x5A0] =	vst v1;
	v0 =	vadd.f32 v57, v56  }
0x74: {  	[tilespmem:$0x4F0] =	vst v14;
	v50 =	vadd.f32 v5, v4;
	v4 =	vld [tilespmem:$0x5B0]  }
0x75: {  	[tilespmem:$0x5D0] =	vst v0;
	v52 =	vadd.f32 v7, v6;
	v5 =	vld [tilespmem:$0x3B0]  }
0x76: {  	v53 =	vadd.f32 v9, v8;
	v6 =	vld [tilespmem:$0x5C0];
	[tilespmem:$0x550] =	vst v50  }
0x77: {  	v54 =	vadd.f32 v11, v10;
	v10 =	vld [tilespmem:$0x3C0];
	[tilespmem:$0x560] =	vst v52  }
0x78: {  	v27 =	vld [tilespmem:$0x2D0];
	v55 =	vadd.f32 v13, v12;
	[tilespmem:$0x570] =	vst v53  }
0x79: {  	v28 =	vld [tilespmem:$0x4E0];
	v7 =	vadd.f32 v17, v16;
	[tilespmem:$0x580] =	vst v54  }
0x7a: {  	v61 =	vld [tilespmem:$0x3E0];
	v8 =	vadd.f32 v19, v18;
	[tilespmem:$0x590] =	vst v55  }
0x7b: {  	v62 =	vld [tilespmem:$0x3F0];
	v9 =	vadd.f32 v21, v20;
	[tilespmem:$0x480] =	vst v7  }
0x7c: {  	[tilespmem:$0x490] =	vst v8;
	v58 =	vadd.f32 v5, v4;
	v4 =	vld [tilespmem:$0x2E0];
	v5 =	vadd.f32 v10, v6  }
0x7d: {  	v11 =	vadd.f32 v25, v24;
	[tilespmem:$0x4A0] =	vst v9;
	v6 =	vld [tilespmem:$0x5E0]  }
0x7e: {  	v12 =	vadd.f32 v27, v26;
	[tilespmem:$0x5C0] =	vst v5;
	v5 =	vld [tilespmem:$0x5F0]  }
0x7f: {  	[tilespmem:$0x4C0] =	vst v11  }
0x80: {  	p0 =	sne.s32 s13, $0x31800;
	[tilespmem:$0x4D0] =	vst v12;
	v10 =	vadd.f32 v23, v22  }
.Ltmp0:
0x81: {  	[tilespmem:$0x5B0] =	vst v58;
	v13 =	vadd.f32 v4, v28;
	(pc) =	sbr.rel @p0 .LBB2_2-.Ltmp0, $4  }
0x82: {  	[tilespmem:$0x4B0] =	vst v10;
	v63 =	vadd.f32 v61, v6  }
0x83: {  	[tilespmem:$0x4E0] =	vst v13;
	v0 =	vadd.f32 v62, v5  }
0x84: {  	[tilespmem:$0x5E0] =	vst v63  }
0x85: {  	s13 =	sadd.s32 $0x800, s13;
	[tilespmem:$0x5F0] =	vst v0  }
0x86: {  	v0 =	vld [tilespmem:$0x400];
	_ =	sdelay $0x4  }
0x87: {  	v0 =	vsub.f32 $0.0e+00, v0;
	_ =	sdelay $0x1  }
0x88: {  	v0 =	vmul.f32 $1.442695020e+00, v0;
	_ =	sdelay $0x1  }
0x89: {  	(erf) = vpow2.f32 v0;
	_ =	sdelay $0x3  }
0x8a: {  	v52 =	vld [tilespmem:$0x410];
	_ =	sdelay $0x4  }
0x8b: {  	v0 =	vsub.f32 $0.0e+00, v52;
	v1 =	vpop (erf)  }
0x8c: {  	v1 =	vadd.f32 $1.000000000e+00, v1  }
0x8d: {  	v0 =	vmul.f32 $1.442695020e+00, v0  }
0x8e: {  	(erf) = vrcp.f32 v1  }
0x8f: {  	(erf) = vpow2.f32 v0;
	_ =	sdelay $0x3  }
0x90: {  	v53 =	vld [tilespmem:$0x420];
	_ =	sdelay $0x3  }
0x91: {  	v0 =	vpop (erf)  }
0x92: {  	v1 =	vsub.f32 $0.0e+00, v53;
	v2 =	vpop (erf)  }
0x93: {  	v2 =	vadd.f32 $1.000000000e+00, v2  }
0x94: {  	v1 =	vmul.f32 $1.442695020e+00, v1  }
0x95: {  	(erf) = vrcp.f32 v2  }
0x96: {  	(erf) = vpow2.f32 v1;
	_ =	sdelay $0x3  }
0x97: {  	v54 =	vld [tilespmem:$0x430];
	_ =	sdelay $0x3  }
0x98: {  	v1 =	vpop (erf)  }
0x99: {  	v2 =	vsub.f32 $0.0e+00, v54;
	v3 =	vpop (erf)  }
0x9a: {  	v3 =	vadd.f32 $1.000000000e+00, v3  }
0x9b: {  	v2 =	vmul.f32 $1.442695020e+00, v2  }
0x9c: {  	(erf) = vrcp.f32 v3  }
0x9d: {  	(erf) = vpow2.f32 v2;
	_ =	sdelay $0x3  }
0x9e: {  	v55 =	vld [tilespmem:$0x440];
	_ =	sdelay $0x3  }
0x9f: {  	v2 =	vpop (erf)  }
0xa0: {  	v3 =	vsub.f32 $0.0e+00, v55;
	v4 =	vpop (erf)  }
0xa1: {  	v4 =	vadd.f32 $1.000000000e+00, v4  }
0xa2: {  	v3 =	vmul.f32 $1.442695020e+00, v3  }
0xa3: {  	(erf) = vrcp.f32 v4  }
0xa4: {  	(erf) = vpow2.f32 v3;
	_ =	sdelay $0x3  }
0xa5: {  	v56 =	vld [tilespmem:$0x450];
	_ =	sdelay $0x3  }
0xa6: {  	v3 =	vpop (erf)  }
0xa7: {  	v4 =	vsub.f32 $0.0e+00, v56;
	v5 =	vpop (erf)  }
0xa8: {  	v5 =	vadd.f32 $1.000000000e+00, v5  }
0xa9: {  	v4 =	vmul.f32 $1.442695020e+00, v4  }
0xaa: {  	(erf) = vrcp.f32 v5  }
0xab: {  	(erf) = vpow2.f32 v4;
	_ =	sdelay $0x3  }
0xac: {  	v57 =	vld [tilespmem:$0x460];
	_ =	sdelay $0x3  }
0xad: {  	v4 =	vpop (erf)  }
0xae: {  	v5 =	vsub.f32 $0.0e+00, v57;
	v6 =	vpop (erf)  }
0xaf: {  	v6 =	vadd.f32 $1.000000000e+00, v6  }
0xb0: {  	v5 =	vmul.f32 $1.442695020e+00, v5  }
0xb1: {  	(erf) = vrcp.f32 v6  }
0xb2: {  	(erf) = vpow2.f32 v5;
	_ =	sdelay $0x3  }
0xb3: {  	v58 =	vld [tilespmem:$0x470];
	_ =	sdelay $0x3  }
0xb4: {  	v5 =	vpop (erf)  }
0xb5: {  	v6 =	vsub.f32 $0.0e+00, v58;
	v15 =	vpop (erf)  }
0xb6: {  	v15 =	vadd.f32 $1.000000000e+00, v15  }
0xb7: {  	v6 =	vmul.f32 $1.442695020e+00, v6  }
0xb8: {  	(erf) = vrcp.f32 v15  }
0xb9: {  	(erf) = vpow2.f32 v6;
	_ =	sdelay $0x7  }
0xba: {  	v6 =	vpop (erf)  }
0xbb: {  	v7 =	vsub.f32 $0.0e+00, v7;
	v59 =	vpop (erf)  }
0xbc: {  	v15 =	vadd.f32 $1.000000000e+00, v59  }
0xbd: {  	v7 =	vmul.f32 $1.442695020e+00, v7  }
0xbe: {  	(erf) = vrcp.f32 v15  }
0xbf: {  	(erf) = vpow2.f32 v7;
	_ =	sdelay $0x7  }
0xc0: {  	v7 =	vpop (erf)  }
0xc1: {  	v8 =	vsub.f32 $0.0e+00, v8;
	v60 =	vpop (erf)  }
0xc2: {  	v15 =	vadd.f32 $1.000000000e+00, v60  }
0xc3: {  	v8 =	vmul.f32 $1.442695020e+00, v8  }
0xc4: {  	(erf) = vrcp.f32 v15  }
0xc5: {  	(erf) = vpow2.f32 v8;
	_ =	sdelay $0x7  }
0xc6: {  	v61 =	vpop (erf)  }
0xc7: {  	v9 =	vsub.f32 $0.0e+00, v9;
	v62 =	vpop (erf)  }
0xc8: {  	v15 =	vadd.f32 $1.000000000e+00, v62  }
0xc9: {  	v9 =	vmul.f32 $1.442695020e+00, v9  }
0xca: {  	(erf) = vrcp.f32 v15  }
0xcb: {  	(erf) = vpow2.f32 v9;
	_ =	sdelay $0x7  }
0xcc: {  	v63 =	vpop (erf)  }
0xcd: {  	v10 =	vsub.f32 $0.0e+00, v10;
	v32 =	vpop (erf)  }
0xce: {  	v15 =	vadd.f32 $1.000000000e+00, v32  }
0xcf: {  	v10 =	vmul.f32 $1.442695020e+00, v10  }
0xd0: {  	(erf) = vrcp.f32 v15  }
0xd1: {  	(erf) = vpow2.f32 v10;
	_ =	sdelay $0x7  }
0xd2: {  	v33 =	vpop (erf)  }
0xd3: {  	v11 =	vsub.f32 $0.0e+00, v11;
	v34 =	vpop (erf)  }
0xd4: {  	v15 =	vadd.f32 $1.000000000e+00, v34  }
0xd5: {  	v11 =	vmul.f32 $1.442695020e+00, v11  }
0xd6: {  	(erf) = vrcp.f32 v15  }
0xd7: {  	(erf) = vpow2.f32 v11;
	_ =	sdelay $0x7  }
0xd8: {  	v35 =	vpop (erf)  }
0xd9: {  	v12 =	vsub.f32 $0.0e+00, v12;
	v36 =	vpop (erf)  }
0xda: {  	v15 =	vadd.f32 $1.000000000e+00, v36  }
0xdb: {  	v12 =	vmul.f32 $1.442695020e+00, v12  }
0xdc: {  	(erf) = vrcp.f32 v15  }
0xdd: {  	(erf) = vpow2.f32 v12;
	_ =	sdelay $0x7  }
0xde: {  	v37 =	vpop (erf)  }
0xdf: {  	v13 =	vsub.f32 $0.0e+00, v13;
	v38 =	vpop (erf)  }
0xe0: {  	v15 =	vadd.f32 $1.000000000e+00, v38  }
0xe1: {  	v13 =	vmul.f32 $1.442695020e+00, v13  }
0xe2: {  	(erf) = vrcp.f32 v15  }
0xe3: {  	(erf) = vpow2.f32 v13;
	_ =	sdelay $0x7  }
0xe4: {  	v39 =	vpop (erf)  }
0xe5: {  	v14 =	vsub.f32 $0.0e+00, v14;
	v40 =	vpop (erf)  }
0xe6: {  	v15 =	vadd.f32 $1.000000000e+00, v40  }
0xe7: {  	v14 =	vmul.f32 $1.442695020e+00, v14  }
0xe8: {  	(erf) = vrcp.f32 v15  }
0xe9: {  	(erf) = vpow2.f32 v14;
	_ =	sdelay $0x3  }
0xea: {  	v41 =	vld [tilespmem:$0x500];
	_ =	sdelay $0x3  }
0xeb: {  	v42 =	vpop (erf)  }
0xec: {  	v15 =	vsub.f32 $0.0e+00, v41;
	v16 =	vpop (erf)  }
0xed: {  	v16 =	vadd.f32 $1.000000000e+00, v16  }
0xee: {  	v15 =	vmul.f32 $1.442695020e+00, v15  }
0xef: {  	(erf) = vrcp.f32 v16  }
0xf0: {  	(erf) = vpow2.f32 v15;
	_ =	sdelay $0x3  }
0xf1: {  	v43 =	vld [tilespmem:$0x510];
	_ =	sdelay $0x3  }
0xf2: {  	v44 =	vpop (erf)  }
0xf3: {  	v16 =	vsub.f32 $0.0e+00, v43;
	v17 =	vpop (erf)  }
0xf4: {  	v17 =	vadd.f32 $1.000000000e+00, v17  }
0xf5: {  	v16 =	vmul.f32 $1.442695020e+00, v16  }
0xf6: {  	(erf) = vrcp.f32 v17  }
0xf7: {  	(erf) = vpow2.f32 v16;
	_ =	sdelay $0x3  }
0xf8: {  	v45 =	vld [tilespmem:$0x520];
	_ =	sdelay $0x3  }
0xf9: {  	v17 =	vpop (erf)  }
0xfa: {  	v16 =	vsub.f32 $0.0e+00, v45;
	v18 =	vpop (erf)  }
0xfb: {  	v18 =	vadd.f32 $1.000000000e+00, v18  }
0xfc: {  	v16 =	vmul.f32 $1.442695020e+00, v16  }
0xfd: {  	(erf) = vrcp.f32 v18  }
0xfe: {  	(erf) = vpow2.f32 v16;
	_ =	sdelay $0x3  }
0xff: {  	v46 =	vld [tilespmem:$0x530];
	_ =	sdelay $0x3  }
0x100: {  	v18 =	vpop (erf)  }
0x101: {  	v16 =	vsub.f32 $0.0e+00, v46;
	v19 =	vpop (erf)  }
0x102: {  	v19 =	vadd.f32 $1.000000000e+00, v19  }
0x103: {  	v16 =	vmul.f32 $1.442695020e+00, v16  }
0x104: {  	(erf) = vrcp.f32 v19  }
0x105: {  	(erf) = vpow2.f32 v16;
	_ =	sdelay $0x3  }
0x106: {  	v47 =	vld [tilespmem:$0x540];
	_ =	sdelay $0x3  }
0x107: {  	v19 =	vpop (erf)  }
0x108: {  	v16 =	vsub.f32 $0.0e+00, v47;
	v20 =	vpop (erf)  }
0x109: {  	v20 =	vadd.f32 $1.000000000e+00, v20  }
0x10a: {  	v16 =	vmul.f32 $1.442695020e+00, v16  }
0x10b: {  	(erf) = vrcp.f32 v20  }
0x10c: {  	(erf) = vpow2.f32 v16;
	_ =	sdelay $0x3  }
0x10d: {  	v48 =	vld [tilespmem:$0x550];
	_ =	sdelay $0x3  }
0x10e: {  	v20 =	vpop (erf)  }
0x10f: {  	v16 =	vsub.f32 $0.0e+00, v48;
	v21 =	vpop (erf)  }
0x110: {  	v21 =	vadd.f32 $1.000000000e+00, v21  }
0x111: {  	v16 =	vmul.f32 $1.442695020e+00, v16  }
0x112: {  	(erf) = vrcp.f32 v21  }
0x113: {  	(erf) = vpow2.f32 v16;
	_ =	sdelay $0x3  }
0x114: {  	v49 =	vld [tilespmem:$0x560];
	_ =	sdelay $0x3  }
0x115: {  	v21 =	vpop (erf)  }
0x116: {  	v16 =	vsub.f32 $0.0e+00, v49;
	v22 =	vpop (erf)  }
0x117: {  	v22 =	vadd.f32 $1.000000000e+00, v22  }
0x118: {  	v16 =	vmul.f32 $1.442695020e+00, v16  }
0x119: {  	(erf) = vrcp.f32 v22  }
0x11a: {  	(erf) = vpow2.f32 v16;
	_ =	sdelay $0x3  }
0x11b: {  	v50 =	vld [tilespmem:$0x570];
	_ =	sdelay $0x3  }
0x11c: {  	v22 =	vpop (erf)  }
0x11d: {  	v16 =	vsub.f32 $0.0e+00, v50;
	v23 =	vpop (erf)  }
0x11e: {  	v23 =	vadd.f32 $1.000000000e+00, v23  }
0x11f: {  	v16 =	vmul.f32 $1.442695020e+00, v16  }
0x120: {  	(erf) = vrcp.f32 v23  }
0x121: {  	(erf) = vpow2.f32 v16;
	_ =	sdelay $0x3  }
0x122: {  	v51 =	vld [tilespmem:$0x580];
	_ =	sdelay $0x3  }
0x123: {  	v23 =	vpop (erf)  }
0x124: {  	v16 =	vsub.f32 $0.0e+00, v51;
	v24 =	vpop (erf)  }
0x125: {  	v24 =	vadd.f32 $1.000000000e+00, v24  }
0x126: {  	v16 =	vmul.f32 $1.442695020e+00, v16  }
0x127: {  	(erf) = vrcp.f32 v24  }
0x128: {  	(erf) = vpow2.f32 v16;
	_ =	sdelay $0x3  }
0x129: {  	v52 =	vld [tilespmem:$0x590];
	_ =	sdelay $0x3  }
0x12a: {  	v24 =	vpop (erf)  }
0x12b: {  	v16 =	vsub.f32 $0.0e+00, v52;
	v25 =	vpop (erf)  }
0x12c: {  	v25 =	vadd.f32 $1.000000000e+00, v25  }
0x12d: {  	v16 =	vmul.f32 $1.442695020e+00, v16  }
0x12e: {  	(erf) = vrcp.f32 v25  }
0x12f: {  	(erf) = vpow2.f32 v16;
	_ =	sdelay $0x3  }
0x130: {  	v53 =	vld [tilespmem:$0x5A0];
	_ =	sdelay $0x3  }
0x131: {  	v25 =	vpop (erf)  }
0x132: {  	v16 =	vsub.f32 $0.0e+00, v53;
	v26 =	vpop (erf)  }
0x133: {  	v26 =	vadd.f32 $1.000000000e+00, v26  }
0x134: {  	v16 =	vmul.f32 $1.442695020e+00, v16  }
0x135: {  	(erf) = vrcp.f32 v26  }
0x136: {  	(erf) = vpow2.f32 v16;
	_ =	sdelay $0x3  }
0x137: {  	v54 =	vld [tilespmem:$0x5B0];
	_ =	sdelay $0x3  }
0x138: {  	v26 =	vpop (erf)  }
0x139: {  	v16 =	vsub.f32 $0.0e+00, v54;
	v27 =	vpop (erf)  }
0x13a: {  	v27 =	vadd.f32 $1.000000000e+00, v27  }
0x13b: {  	v16 =	vmul.f32 $1.442695020e+00, v16  }
0x13c: {  	(erf) = vrcp.f32 v27  }
0x13d: {  	(erf) = vpow2.f32 v16;
	_ =	sdelay $0x3  }
0x13e: {  	v55 =	vld [tilespmem:$0x5C0];
	_ =	sdelay $0x3  }
0x13f: {  	v27 =	vpop (erf)  }
0x140: {  	v16 =	vsub.f32 $0.0e+00, v55;
	v28 =	vpop (erf)  }
0x141: {  	v28 =	vadd.f32 $1.000000000e+00, v28  }
0x142: {  	v16 =	vmul.f32 $1.442695020e+00, v16  }
0x143: {  	(erf) = vrcp.f32 v28  }
0x144: {  	(erf) = vpow2.f32 v16;
	_ =	sdelay $0x3  }
0x145: {  	v56 =	vld [tilespmem:$0x5D0];
	_ =	sdelay $0x3  }
0x146: {  	v28 =	vpop (erf)  }
0x147: {  	v16 =	vsub.f32 $0.0e+00, v56;
	v29 =	vpop (erf)  }
0x148: {  	v29 =	vadd.f32 $1.000000000e+00, v29  }
0x149: {  	v16 =	vmul.f32 $1.442695020e+00, v16  }
0x14a: {  	(erf) = vrcp.f32 v29  }
0x14b: {  	(erf) = vpow2.f32 v16;
	_ =	sdelay $0x3  }
0x14c: {  	v57 =	vld [tilespmem:$0x5E0];
	_ =	sdelay $0x3  }
0x14d: {  	v29 =	vpop (erf)  }
0x14e: {  	v16 =	vsub.f32 $0.0e+00, v57;
	v30 =	vpop (erf)  }
0x14f: {  	v30 =	vadd.f32 $1.000000000e+00, v30  }
0x150: {  	v16 =	vmul.f32 $1.442695020e+00, v16  }
0x151: {  	(erf) = vrcp.f32 v30  }
0x152: {  	(erf) = vpow2.f32 v16;
	_ =	sdelay $0x3  }
0x153: {  	[tilespmem:$0x400] =	vst v0;
	v58 =	vld [tilespmem:$0x5F0]  }
0x154: {  	[tilespmem:$0x410] =	vst v1  }
0x155: {  	[tilespmem:$0x420] =	vst v2  }
0x156: {  	[tilespmem:$0x430] =	vst v3  }
0x157: {  	[tilespmem:$0x440] =	vst v4;
	v59 =	vpop (erf)  }
0x158: {  	v0 =	vsub.f32 $0.0e+00, v58;
	[tilespmem:$0x450] =	vst v5;
	v60 =	vpop (erf)  }
0x159: {  	[tilespmem:$0x460] =	vst v6;
	v2 =	vadd.f32 $1.000000000e+00, v60  }
0x15a: {  	v0 =	vmul.f32 $1.442695020e+00, v0;
	[tilespmem:$0x470] =	vst v7  }
0x15b: {  	[tilespmem:$0x480] =	vst v61;
	(erf) = vrcp.f32 v2  }
0x15c: {  	[tilespmem:$0x490] =	vst v63;
	(erf) = vpow2.f32 v0  }
0x15d: {  	[tilespmem:$0x4A0] =	vst v33  }
0x15e: {  	[tilespmem:$0x4B0] =	vst v35  }
0x15f: {  	[tilespmem:$0x4C0] =	vst v37  }
0x160: {  	[tilespmem:$0x4D0] =	vst v39  }
0x161: {  	[tilespmem:$0x4E0] =	vst v42  }
0x162: {  	[tilespmem:$0x4F0] =	vst v44  }
0x163: {  	[tilespmem:$0x500] =	vst v17  }
0x164: {  	[tilespmem:$0x510] =	vst v18;
	v61 =	vpop (erf)  }
0x165: {  	[tilespmem:$0x520] =	vst v19;
	v62 =	vpop (erf)  }
0x166: {  	[tilespmem:$0x530] =	vst v20;
	v2 =	vadd.f32 $1.000000000e+00, v62  }
0x167: {  	[tilespmem:$0x540] =	vst v21  }
0x168: {  	[tilespmem:$0x550] =	vst v22;
	(erf) = vrcp.f32 v2  }
0x169: {  	[tilespmem:$0x560] =	vst v23  }
0x16a: {  	[tilespmem:$0x570] =	vst v24  }
0x16b: {  	[tilespmem:$0x580] =	vst v25  }
0x16c: {  	[tilespmem:$0x590] =	vst v26  }
0x16d: {  	[tilespmem:$0x5A0] =	vst v27  }
0x16e: {  	[tilespmem:$0x5B0] =	vst v28  }
0x16f: {  	[tilespmem:$0x5C0] =	vst v29  }
0x170: {  	s12 =	sadd.s32 $0x1, s12;
	[tilespmem:$0x5D0] =	vst v59  }
0x171: {  	p0 =	sne.s32 s12, s6;
	[tilespmem:$0x5E0] =	vst v61;
	v63 =	vpop (erf)  }
.Ltmp1:
0x172: {  	[tilespmem:$0x5F0] =	vst v63;
	(pc) =	sbr.rel @p0 .LBB2_1-.Ltmp1, $4  }
0x173: {  	[hbm4b:s5+s3] =	stream.linear.scatter [tilespmem:s11], [sflag:$0x2], $0x200, $0x38;
	[tilespmem:$0x600] =	vst v63  }
0x174: {  	_ =	swait.ge [sflag:s8], $0x200  }
0x175: {  	[sflag:s8] =	ssyncset.done $0x0  }
0x176: {  	[sflag:s8] =	ssyncadd.s32 $0xFFFFFE00  }
0x177: {  	_ =	sfence.sel $0x180000  }
0x178: {  	[bflag:$0x0] =	sbarrier.arrive $0xFFFF  }
0x179: {  	p0 =	sne.s32 s1, $0x0;
	_ =	strace $0x90000047  }
0x17a: {  	s0 =	sadd.s32 @!p0 $0x100000, s0;
	[bflag:$0x2] =	sbarrier.arrive $0xFFFF  }
0x17b: {  	[sflag:s0] =	ssyncadd.tile.s32 @!p0 $0x1;
	_ =	shalt  }
.Lfunc_end2:
_tile_overlayer_lowered:
.L_overlay_start_2:
0x17c: {  	(tag) =	ssettag $0x2  }
0x17d: {  	s0 =	rddreg [dreg:$0x0];
	s2 =	stileid.u32  }
0x17e: {  	s1 =	rddreg [dreg:$0x1];
	p0 =	sne.s32 s2, $0x0  }
0x17f: {  	s3 =	rddreg [dreg:$0x2];
	[bflag:$0x3] =	sbarrier.arrive $0xFFFF;
	s2 =	simm.s32 @!p0 $0x1C02  }
0x180: {  	[timem:s3], [sflag:s2] =	dma.local @!p0 [hbm:s0], s1  }
0x181: {  	s0 =	simm.s32 @!p0 $0x2  }
0x182: {  	_ =	swait.ge @!p0 [sflag:s0], s1  }
0x183: {  	s1 =	ssub.s32 @!p0 $0x0, s1;
	[sflag:s0] =	ssyncset.done @!p0 $0x0  }
0x184: {  	[sflag:s0] =	ssyncadd.s32 @!p0 s1  }
0x185: {  	[bflag:$0x3] =	sbarrier.arrive $0xFFFF  }
0x186: {  	_ =	shalt  }

</sc_bundles>
